<compile_context>
chip_gen: v7x
topology: tpu7x:2x2x1
jax: 0.10.2.dev20260603
libtpu: 0.0.44.dev20260713+nightly
codegen_flags: <defaults>
</compile_context>

<pallas_src>
import functools

import jax
import jax.numpy as jnp
from jax import lax
from jax.experimental import pallas as pl
from jax.experimental.pallas import tpu as pltpu
from jax.experimental.pallas import tpu_sc as plsc

E = 8
N = 4096
D = 2048
K = 2
L = 16

NC = 2
NS = 16
NW = NC * NS
TPW = N // NW
T = 8
NSUB = TPW // T
ROWS = T

TOK_BLK = 512


def _gating_body(h_ref, gw_ref, gb_ref, fi0_ref, fi1_ref, w0_ref):
    blk = pl.program_id(0)
    h = h_ref[...]
    gw = gw_ref[...]
    gb = gb_ref[...]
    scores = lax.dot_general(h, gw, (((1,), (1,)), ((), ())),
                             preferred_element_type=jnp.float32) + gb
    iota_e = lax.broadcasted_iota(jnp.int32, (TOK_BLK, E), 1)
    m0 = jnp.max(scores, axis=1, keepdims=True)
    a0 = jnp.min(jnp.where(scores == m0, iota_e, E), axis=1, keepdims=True)
    masked = jnp.where(iota_e == a0, -jnp.inf, scores)
    m1 = jnp.max(masked, axis=1, keepdims=True)
    w0 = 1.0 / (1.0 + jnp.exp(m1 - m0))
    w0_ref[...] = jnp.broadcast_to(w0, (TOK_BLK, L))
    tok1 = blk * TOK_BLK + lax.broadcasted_iota(jnp.int32, (TOK_BLK,), 0)
    a0_1 = jnp.min(jnp.where(scores == m0, iota_e, E), axis=1)
    a1_1 = jnp.min(jnp.where(masked == m1, iota_e, E), axis=1)
    fi0_ref[...] = a0_1 * N + tok1
    fi1_ref[...] = a1_1 * N + tok1


def _gating(hidden_states, gate_w, gate_b2d):
    return pl.pallas_call(
        _gating_body,
        grid=(N // TOK_BLK,),
        in_specs=[
            pl.BlockSpec((TOK_BLK, D), lambda i: (i, 0)),
            pl.BlockSpec((E, D), lambda i: (0, 0)),
            pl.BlockSpec((1, E), lambda i: (0, 0)),
        ],
        out_specs=[
            pl.BlockSpec((TOK_BLK,), lambda i: (i,)),
            pl.BlockSpec((TOK_BLK,), lambda i: (i,)),
            pl.BlockSpec((TOK_BLK, L), lambda i: (i, 0)),
        ],
        out_shape=[
            jax.ShapeDtypeStruct((N,), jnp.int32),
            jax.ShapeDtypeStruct((N,), jnp.int32),
            jax.ShapeDtypeStruct((N, L), jnp.float32),
        ],
    )(hidden_states, gate_w, gate_b2d)


def _combine_body(eo_ref, fi0_ref, fi1_ref, w0_ref, out_ref,
                  i0_v, i1_v, w0_v,
                  r00, r01, r10, r11, o0, o1,
                  ga0, ga1, gb0, gb1, s0, s1):
    wid = lax.axis_index("s") * NC + lax.axis_index("c")
    tok0 = wid * TPW
    pltpu.sync_copy(fi0_ref.at[pl.ds(tok0, TPW)], i0_v)
    pltpu.sync_copy(fi1_ref.at[pl.ds(tok0, TPW)], i1_v)
    pltpu.sync_copy(w0_ref.at[pl.ds(tok0, TPW), :], w0_v)

    r0bufs = (r00, r01)
    r1bufs = (r10, r11)
    obufs = (o0, o1)
    g0sems = (ga0, ga1)
    g1sems = (gb0, gb1)
    ssems = (s0, s1)

    def start_gather(j, b):
        pltpu.async_copy(
            eo_ref.at[i0_v.at[pl.ds(j * T, T)]], r0bufs[b], g0sems[b])
        pltpu.async_copy(
            eo_ref.at[i1_v.at[pl.ds(j * T, T)]], r1bufs[b], g1sems[b])

    def wait_gather(j, b):
        pltpu.make_async_copy(
            eo_ref.at[i0_v.at[pl.ds(j * T, T)]], r0bufs[b], g0sems[b]).wait()
        pltpu.make_async_copy(
            eo_ref.at[i1_v.at[pl.ds(j * T, T)]], r1bufs[b], g1sems[b]).wait()

    def start_store(j, b):
        pltpu.async_copy(obufs[b], out_ref.at[pl.ds(tok0 + j * T, T)], ssems[b])

    def wait_store(j, b):
        pltpu.make_async_copy(
            obufs[b], out_ref.at[pl.ds(tok0 + j * T, T)], ssems[b]).wait()

    start_gather(0, 0)

    def pair_body(gp, _):
        for b in (0, 1):
            j = 2 * gp + b
            if b == 0:
                start_gather(j + 1, 1)
            else:
                @pl.when(gp < NSUB // 2 - 1)
                def _():
                    start_gather(j + 1, 0)
            wait_gather(j, b)

            @pl.when(j >= 2)
            def _():
                wait_store(j, b)

            def tok_body(t, _, jj=j, bb=b):
                wv0 = w0_v[jj * T + t]

                @plsc.parallel_loop(0, D, L, unroll=8)
                def d_body(c):
                    r1 = r1bufs[bb][t, pl.ds(c, L)]
                    obufs[bb][t, pl.ds(c, L)] = (
                        r1 + (r0bufs[bb][t, pl.ds(c, L)] - r1) * wv0)

                return 0

            lax.fori_loop(0, T, tok_body, 0)
            start_store(j, b)
        return 0

    lax.fori_loop(0, NSUB // 2, pair_body, 0)
    for b in (0, 1):
        wait_store(NSUB - 2 + b, b)


@functools.cache
def _make_combine():
    return pl.kernel(
        _combine_body,
        out_type=jax.ShapeDtypeStruct((N, D), jnp.float32),
        mesh=plsc.VectorSubcoreMesh(core_axis_name="c", subcore_axis_name="s",
                                    num_cores=NC, num_subcores=NS),
        scratch_types=[
            pltpu.VMEM((TPW,), jnp.int32),
            pltpu.VMEM((TPW,), jnp.int32),
            pltpu.VMEM((TPW, L), jnp.float32),
            pltpu.VMEM((ROWS, D), jnp.float32),
            pltpu.VMEM((ROWS, D), jnp.float32),
            pltpu.VMEM((ROWS, D), jnp.float32),
            pltpu.VMEM((ROWS, D), jnp.float32),
            pltpu.VMEM((T, D), jnp.float32),
            pltpu.VMEM((T, D), jnp.float32),
            pltpu.SemaphoreType.DMA,
            pltpu.SemaphoreType.DMA,
            pltpu.SemaphoreType.DMA,
            pltpu.SemaphoreType.DMA,
            pltpu.SemaphoreType.DMA,
            pltpu.SemaphoreType.DMA,
        ],
    )


def kernel(hidden_states, expert_outputs, gate_w, gate_b):
    fi0, fi1, w0s = _gating(hidden_states, gate_w, gate_b.reshape(1, E))
    eo_flat = expert_outputs.reshape(E * N, D)
    return _make_combine()(eo_flat, fi0, fi1, w0s)

# --- scband reference (transcript-rebuilt; emitter-appended) ---
"""Pipeline reference for scband-precision-gated-mo-e-90804198572580 (READ-ONLY COPY).

The authoritative reference and input builder live on the scoring server;
editing this copy changes nothing except your own understanding.
"""

import jax, jax.numpy as jnp
import numpy as np

NUM_EXPERTS = 8
TOP_K = 2
N_TOKENS = 4096
D_MODEL = 2048

def setup_inputs(seed: int = 0) -> dict:
    key = jax.random.key(seed)
    k1, k2, k3, k4 = jax.random.split(key, 4)
    hidden_states = jax.random.normal(k1, (N_TOKENS, D_MODEL), dtype=jnp.float32)
    # expert_outputs stacked as [E, N, d]; the torch module receives this as a list of E tensors
    expert_outputs = jax.random.normal(k2, (NUM_EXPERTS, N_TOKENS, D_MODEL), dtype=jnp.float32)
    gate_w = jax.random.normal(k3, (NUM_EXPERTS, D_MODEL), dtype=jnp.float32) * (1.0 / np.sqrt(D_MODEL))
    gate_b = jnp.zeros((NUM_EXPERTS,), dtype=jnp.float32)
    return {"hidden_states": hidden_states, "expert_outputs": expert_outputs, "gate_w": gate_w, "gate_b": gate_b}

def reference(hidden_states, expert_outputs, gate_w, gate_b):
    # gate: nn.Linear(hidden_size, num_experts)
    gate_scores = hidden_states @ gate_w.T + gate_b  # [N, E]
    # eval mode: precision_gate scaling and expert_counts updates only apply in training
    gate_probs = jax.nn.softmax(gate_scores, axis=-1)
    top_k_probs, top_k_indices = jax.lax.top_k(gate_probs, TOP_K)  # [N, K]
    top_k_probs = top_k_probs / jnp.sum(top_k_probs, axis=-1, keepdims=True)
    # gather per-token expert outputs: expert_outputs[expert_idx][token]
    tok = jnp.arange(hidden_states.shape[0])
    gathered = expert_outputs[top_k_indices, tok[:, None], :]  # [N, K, d]
    output = jnp.sum(top_k_probs[:, :, None] * gathered, axis=1)  # [N, d]
    return output

if __name__ == "__main__":
    import jax
    _d = setup_inputs()
    print(jax.jit(kernel)(*tuple(_d.values())))

</pallas_src>

<mosaic_0001>
#map = affine_map<(d0, d1) -> (0, 0)>
#map1 = affine_map<(d0, d1) -> (0)>
module attributes {stable_mosaic.version = 14 : i64} {
  func.func @_combine_body(%arg0: i32, %arg1: i32, %arg2: memref<32768x2048xf32, #tpu.memory_space<hbm>>, %arg3: memref<4096xi32, #tpu.memory_space<hbm>>, %arg4: memref<4096xi32, #tpu.memory_space<hbm>>, %arg5: memref<4096x16xf32, #tpu.memory_space<hbm>>, %arg6: memref<4096x2048xf32, #tpu.memory_space<hbm>>, %arg7: memref<128xi32, #tpu.memory_space<vmem>>, %arg8: memref<128xi32, #tpu.memory_space<vmem>>, %arg9: memref<128x16xf32, #tpu.memory_space<vmem>>, %arg10: memref<8x2048xf32, #tpu.memory_space<vmem>>, %arg11: memref<8x2048xf32, #tpu.memory_space<vmem>>, %arg12: memref<8x2048xf32, #tpu.memory_space<vmem>>, %arg13: memref<8x2048xf32, #tpu.memory_space<vmem>>, %arg14: memref<8x2048xf32, #tpu.memory_space<vmem>>, %arg15: memref<8x2048xf32, #tpu.memory_space<vmem>>, %arg16: memref<!tpu.dma_semaphore, #tpu.memory_space<semaphore_mem>>, %arg17: memref<!tpu.dma_semaphore, #tpu.memory_space<semaphore_mem>>, %arg18: memref<!tpu.dma_semaphore, #tpu.memory_space<semaphore_mem>>, %arg19: memref<!tpu.dma_semaphore, #tpu.memory_space<semaphore_mem>>, %arg20: memref<!tpu.dma_semaphore, #tpu.memory_space<semaphore_mem>>, %arg21: memref<!tpu.dma_semaphore, #tpu.memory_space<semaphore_mem>>) attributes {dimension_semantics = [#tpu.dimension_semantics<core_parallel>, #tpu.dimension_semantics<subcore_parallel>], iteration_bounds = array<i64: 2, 16>, scalar_prefetch = 0 : i64, scratch_operands = 15 : i64, tpu.core_type = #tpu.core_type<sc_vector_subcore>, window_params = [{transform_indices = #map}, {transform_indices = #map1}, {transform_indices = #map1}, {transform_indices = #map}, {transform_indices = #map}]} {
    %mul3A = arith.constant 2 : i32
    %mul3A_0 = arith.muli %arg1, %mul3A : i32
    %add3A = arith.addi %mul3A_0, %arg0 : i32
    %mul3A_1 = arith.constant 128 : i32
    %mul3A_2 = arith.muli %add3A, %mul3A_1 : i32
    "tpu.region"() ({
      %run_scoped3A = tpu.sem_alloc : memref<!tpu.dma_semaphore, #tpu.memory_space<semaphore_mem>>
      %dma_start3A_29 = tpu.memref_slice %arg3[%mul3A_2] : memref<4096xi32, #tpu.memory_space<hbm>> -> memref<128xi32, #tpu.memory_space<hbm>>
      %dma_start3A_30 = tpu.memref_slice %arg3[%mul3A_2] : memref<4096xi32, #tpu.memory_space<hbm>> -> memref<128xi32, #tpu.memory_space<hbm>>
      tpu.enqueue_dma source(%dma_start3A_30 : memref<128xi32, #tpu.memory_space<hbm>>) target(%arg7 : memref<128xi32, #tpu.memory_space<vmem>>) target_semaphore(%run_scoped3A : memref<!tpu.dma_semaphore, #tpu.memory_space<semaphore_mem>>)
      %dma_wait3A_31 = tpu.memref_slice %arg3[%mul3A_2] : memref<4096xi32, #tpu.memory_space<hbm>> -> memref<128xi32, #tpu.memory_space<hbm>>
      %dma_wait3A_32 = tpu.memref_slice %arg3[%mul3A_2] : memref<4096xi32, #tpu.memory_space<hbm>> -> memref<128xi32, #tpu.memory_space<hbm>>
      tpu.wait_dma2 semaphore(%run_scoped3A : memref<!tpu.dma_semaphore, #tpu.memory_space<semaphore_mem>>) src(%dma_wait3A_32 : memref<128xi32, #tpu.memory_space<hbm>>) dst(%arg7 : memref<128xi32, #tpu.memory_space<vmem>>)
      tpu.yield
    }) : () -> ()
    "tpu.region"() ({
      %run_scoped3A = tpu.sem_alloc : memref<!tpu.dma_semaphore, #tpu.memory_space<semaphore_mem>>
      %dma_start3A_29 = tpu.memref_slice %arg4[%mul3A_2] : memref<4096xi32, #tpu.memory_space<hbm>> -> memref<128xi32, #tpu.memory_space<hbm>>
      %dma_start3A_30 = tpu.memref_slice %arg4[%mul3A_2] : memref<4096xi32, #tpu.memory_space<hbm>> -> memref<128xi32, #tpu.memory_space<hbm>>
      tpu.enqueue_dma source(%dma_start3A_30 : memref<128xi32, #tpu.memory_space<hbm>>) target(%arg8 : memref<128xi32, #tpu.memory_space<vmem>>) target_semaphore(%run_scoped3A : memref<!tpu.dma_semaphore, #tpu.memory_space<semaphore_mem>>)
      %dma_wait3A_31 = tpu.memref_slice %arg4[%mul3A_2] : memref<4096xi32, #tpu.memory_space<hbm>> -> memref<128xi32, #tpu.memory_space<hbm>>
      %dma_wait3A_32 = tpu.memref_slice %arg4[%mul3A_2] : memref<4096xi32, #tpu.memory_space<hbm>> -> memref<128xi32, #tpu.memory_space<hbm>>
      tpu.wait_dma2 semaphore(%run_scoped3A : memref<!tpu.dma_semaphore, #tpu.memory_space<semaphore_mem>>) src(%dma_wait3A_32 : memref<128xi32, #tpu.memory_space<hbm>>) dst(%arg8 : memref<128xi32, #tpu.memory_space<vmem>>)
      tpu.yield
    }) : () -> ()
    "tpu.region"() ({
      %run_scoped3A = tpu.sem_alloc : memref<!tpu.dma_semaphore, #tpu.memory_space<semaphore_mem>>
      %dma_start3A_29 = arith.constant 0 : i32
      %dma_start3A_30 = tpu.memref_slice %arg5[%mul3A_2, %dma_start3A_29] : memref<4096x16xf32, #tpu.memory_space<hbm>> -> memref<128x16xf32, #tpu.memory_space<hbm>>
      %dma_start3A_31 = arith.constant 0 : i32
      %dma_start3A_32 = tpu.memref_slice %arg5[%mul3A_2, %dma_start3A_31] : memref<4096x16xf32, #tpu.memory_space<hbm>> -> memref<128x16xf32, #tpu.memory_space<hbm>>
      tpu.enqueue_dma source(%dma_start3A_32 : memref<128x16xf32, #tpu.memory_space<hbm>>) target(%arg9 : memref<128x16xf32, #tpu.memory_space<vmem>>) target_semaphore(%run_scoped3A : memref<!tpu.dma_semaphore, #tpu.memory_space<semaphore_mem>>)
      %dma_wait3A_33 = arith.constant 0 : i32
      %dma_wait3A_34 = tpu.memref_slice %arg5[%mul3A_2, %dma_wait3A_33] : memref<4096x16xf32, #tpu.memory_space<hbm>> -> memref<128x16xf32, #tpu.memory_space<hbm>>
      %dma_wait3A_35 = arith.constant 0 : i32
      %dma_wait3A_36 = tpu.memref_slice %arg5[%mul3A_2, %dma_wait3A_35] : memref<4096x16xf32, #tpu.memory_space<hbm>> -> memref<128x16xf32, #tpu.memory_space<hbm>>
      tpu.wait_dma2 semaphore(%run_scoped3A : memref<!tpu.dma_semaphore, #tpu.memory_space<semaphore_mem>>) src(%dma_wait3A_36 : memref<128x16xf32, #tpu.memory_space<hbm>>) dst(%arg9 : memref<128x16xf32, #tpu.memory_space<vmem>>)
      tpu.yield
    }) : () -> ()
    %dma_start3A = arith.constant 0 : i32
    %dma_start3A_3 = tpu.memref_slice %arg7[%dma_start3A] : memref<128xi32, #tpu.memory_space<vmem>> -> memref<8xi32, #tpu.memory_space<vmem>>
    %dma_start3A_4 = arith.constant 0 : i32
    %dma_start3A_5 = arith.constant 0 : i32
    %dma_start3A_6 = tpu.memref_slice %arg2[%dma_start3A_4, %dma_start3A_5] : memref<32768x2048xf32, #tpu.memory_space<hbm>> -> memref<32768x2048xf32, #tpu.memory_space<hbm>>
    tpu.enqueue_indirect_dma source(%dma_start3A_6 : memref<32768x2048xf32, #tpu.memory_space<hbm>>) target(%arg10 : memref<8x2048xf32, #tpu.memory_space<vmem>>) offsets(%dma_start3A_3 : memref<8xi32, #tpu.memory_space<vmem>>) semaphore(%arg16 : memref<!tpu.dma_semaphore, #tpu.memory_space<semaphore_mem>>)
    %dma_start3A_7 = arith.constant 0 : i32
    %dma_start3A_8 = tpu.memref_slice %arg8[%dma_start3A_7] : memref<128xi32, #tpu.memory_space<vmem>> -> memref<8xi32, #tpu.memory_space<vmem>>
    %dma_start3A_9 = arith.constant 0 : i32
    %dma_start3A_10 = arith.constant 0 : i32
    %dma_start3A_11 = tpu.memref_slice %arg2[%dma_start3A_9, %dma_start3A_10] : memref<32768x2048xf32, #tpu.memory_space<hbm>> -> memref<32768x2048xf32, #tpu.memory_space<hbm>>
    tpu.enqueue_indirect_dma source(%dma_start3A_11 : memref<32768x2048xf32, #tpu.memory_space<hbm>>) target(%arg12 : memref<8x2048xf32, #tpu.memory_space<vmem>>) offsets(%dma_start3A_8 : memref<8xi32, #tpu.memory_space<vmem>>) semaphore(%arg18 : memref<!tpu.dma_semaphore, #tpu.memory_space<semaphore_mem>>)
    %scan3A = arith.constant 0 : i32
    %scan3A_12 = arith.constant 0 : i32
    %scan3A_13 = arith.constant 8 : i32
    %scan3A_14 = arith.addi %scan3A_12, %scan3A_13 : i32
    %scan3A_15 = arith.constant 1 : i32
    %scan3A_16 = scf.for %scan3A_29 = %scan3A_12 to %scan3A_14 step %scan3A_15 iter_args(%scan3A_30 = %scan3A) -> (i32)  : i32 {
      %mul3A_31 = arith.constant 2 : i32
      %mul3A_32 = arith.muli %mul3A_31, %scan3A_29 : i32
      %add3A_33 = arith.constant 0 : i32
      %add3A_34 = arith.addi %mul3A_32, %add3A_33 : i32
      %add3A_35 = arith.constant 1 : i32
      %add3A_36 = arith.addi %add3A_34, %add3A_35 : i32
      %mul3A_37 = arith.constant 8 : i32
      %mul3A_38 = arith.muli %add3A_36, %mul3A_37 : i32
      %dma_start3A_39 = tpu.memref_slice %arg7[%mul3A_38] : memref<128xi32, #tpu.memory_space<vmem>> -> memref<8xi32, #tpu.memory_space<vmem>>
      %dma_start3A_40 = arith.constant 0 : i32
      %dma_start3A_41 = arith.constant 0 : i32
      %dma_start3A_42 = tpu.memref_slice %arg2[%dma_start3A_40, %dma_start3A_41] : memref<32768x2048xf32, #tpu.memory_space<hbm>> -> memref<32768x2048xf32, #tpu.memory_space<hbm>>
      tpu.enqueue_indirect_dma source(%dma_start3A_42 : memref<32768x2048xf32, #tpu.memory_space<hbm>>) target(%arg11 : memref<8x2048xf32, #tpu.memory_space<vmem>>) offsets(%dma_start3A_39 : memref<8xi32, #tpu.memory_space<vmem>>) semaphore(%arg17 : memref<!tpu.dma_semaphore, #tpu.memory_space<semaphore_mem>>)
      %mul3A_43 = arith.constant 8 : i32
      %mul3A_44 = arith.muli %add3A_36, %mul3A_43 : i32
      %dma_start3A_45 = tpu.memref_slice %arg8[%mul3A_44] : memref<128xi32, #tpu.memory_space<vmem>> -> memref<8xi32, #tpu.memory_space<vmem>>
      %dma_start3A_46 = arith.constant 0 : i32
      %dma_start3A_47 = arith.constant 0 : i32
      %dma_start3A_48 = tpu.memref_slice %arg2[%dma_start3A_46, %dma_start3A_47] : memref<32768x2048xf32, #tpu.memory_space<hbm>> -> memref<32768x2048xf32, #tpu.memory_space<hbm>>
      tpu.enqueue_indirect_dma source(%dma_start3A_48 : memref<32768x2048xf32, #tpu.memory_space<hbm>>) target(%arg13 : memref<8x2048xf32, #tpu.memory_space<vmem>>) offsets(%dma_start3A_45 : memref<8xi32, #tpu.memory_space<vmem>>) semaphore(%arg19 : memref<!tpu.dma_semaphore, #tpu.memory_space<semaphore_mem>>)
      %mul3A_49 = arith.constant 8 : i32
      %mul3A_50 = arith.muli %add3A_34, %mul3A_49 : i32
      %dma_wait3A_51 = tpu.memref_slice %arg7[%mul3A_50] : memref<128xi32, #tpu.memory_space<vmem>> -> memref<8xi32, #tpu.memory_space<vmem>>
      %dma_wait3A_52 = arith.constant 0 : i32
      %dma_wait3A_53 = arith.constant 0 : i32
      %dma_wait3A_54 = tpu.memref_slice %arg2[%dma_wait3A_52, %dma_wait3A_53] : memref<32768x2048xf32, #tpu.memory_space<hbm>> -> memref<32768x2048xf32, #tpu.memory_space<hbm>>
      tpu.wait_indirect_dma semaphore(%arg16 : memref<!tpu.dma_semaphore, #tpu.memory_space<semaphore_mem>>) src(%dma_wait3A_54 : memref<32768x2048xf32, #tpu.memory_space<hbm>>) dst(%arg10 : memref<8x2048xf32, #tpu.memory_space<vmem>>)
      %mul3A_55 = arith.constant 8 : i32
      %mul3A_56 = arith.muli %add3A_34, %mul3A_55 : i32
      %dma_wait3A_57 = tpu.memref_slice %arg8[%mul3A_56] : memref<128xi32, #tpu.memory_space<vmem>> -> memref<8xi32, #tpu.memory_space<vmem>>
      %dma_wait3A_58 = arith.constant 0 : i32
      %dma_wait3A_59 = arith.constant 0 : i32
      %dma_wait3A_60 = tpu.memref_slice %arg2[%dma_wait3A_58, %dma_wait3A_59] : memref<32768x2048xf32, #tpu.memory_space<hbm>> -> memref<32768x2048xf32, #tpu.memory_space<hbm>>
      tpu.wait_indirect_dma semaphore(%arg18 : memref<!tpu.dma_semaphore, #tpu.memory_space<semaphore_mem>>) src(%dma_wait3A_60 : memref<32768x2048xf32, #tpu.memory_space<hbm>>) dst(%arg12 : memref<8x2048xf32, #tpu.memory_space<vmem>>)
      %ge3A = arith.constant 2 : i32
      %ge3A_61 = arith.cmpi sge, %add3A_34, %ge3A : i32
      %convert_element_type3A = arith.extui %ge3A_61 : i1 to i32
      %cond3A = arith.constant 0 : i32
      %cond3A_62 = arith.cmpi ne, %convert_element_type3A, %cond3A : i32
      scf.if %cond3A_62 {
        %mul3A_117 = arith.constant 8 : i32
        %mul3A_118 = arith.muli %add3A_34, %mul3A_117 : i32
        %add3A_119 = arith.addi %mul3A_2, %mul3A_118 : i32
        %dma_wait3A_120 = arith.constant 0 : i32
        %dma_wait3A_121 = tpu.memref_slice %arg6[%add3A_119, %dma_wait3A_120] : memref<4096x2048xf32, #tpu.memory_space<hbm>> -> memref<8x2048xf32, #tpu.memory_space<hbm>>
        %dma_wait3A_122 = arith.constant 0 : i32
        %dma_wait3A_123 = tpu.memref_slice %arg6[%add3A_119, %dma_wait3A_122] : memref<4096x2048xf32, #tpu.memory_space<hbm>> -> memref<8x2048xf32, #tpu.memory_space<hbm>>
        tpu.wait_dma2 semaphore(%arg20 : memref<!tpu.dma_semaphore, #tpu.memory_space<semaphore_mem>>) src(%arg14 : memref<8x2048xf32, #tpu.memory_space<vmem>>) dst(%dma_wait3A_123 : memref<8x2048xf32, #tpu.memory_space<hbm>>)
      } else {
      }
      %scan3A_63 = arith.constant 0 : i32
      %scan3A_64 = arith.constant 0 : i32
      %scan3A_65 = arith.constant 8 : i32
      %scan3A_66 = arith.addi %scan3A_64, %scan3A_65 : i32
      %scan3A_67 = arith.constant 1 : i32
      %scan3A_68 = scf.for %scan3A_117 = %scan3A_64 to %scan3A_66 step %scan3A_67 iter_args(%scan3A_118 = %scan3A_63) -> (i32)  : i32 {
        %mul3A_119 = arith.constant 8 : i32
        %mul3A_120 = arith.muli %add3A_34, %mul3A_119 : i32
        %add3A_121 = arith.addi %mul3A_120, %scan3A_117 : i32
        %get3A = arith.index_cast %add3A_121 : i32 to index
        %get3A_122 = arith.constant 0 : index
        %get3A_123 = tpu.vector_load %arg9[%get3A, %get3A_122] {strides = array<i32>} : memref<128x16xf32, #tpu.memory_space<vmem>>, vector<1x16xf32>,
        %get3A_124 = vector.shape_cast %get3A_123 : vector<1x16xf32> to vector<16xf32>
        %parallel_loop3A = arith.constant 0 : i32
        %parallel_loop3A_125 = arith.constant 2048 : i32
        %parallel_loop3A_126 = arith.constant 16 : i32
        scf.for %parallel_loop3A_128 = %parallel_loop3A to %parallel_loop3A_125 step %parallel_loop3A_126  : i32 {
          %parallel_loop3A_129 = arith.index_cast %scan3A_117 : i32 to index
          %parallel_loop3A_130 = arith.index_cast %parallel_loop3A_128 : i32 to index
          %parallel_loop3A_131 = tpu.vector_load %arg12[%parallel_loop3A_129, %parallel_loop3A_130] {strides = array<i32>} : memref<8x2048xf32, #tpu.memory_space<vmem>>, vector<1x16xf32>,
          %parallel_loop3A_132 = vector.shape_cast %parallel_loop3A_131 : vector<1x16xf32> to vector<16xf32>
          %parallel_loop3A_133 = arith.index_cast %scan3A_117 : i32 to index
          %parallel_loop3A_134 = arith.index_cast %parallel_loop3A_128 : i32 to index
          %parallel_loop3A_135 = tpu.vector_load %arg10[%parallel_loop3A_133, %parallel_loop3A_134] {strides = array<i32>} : memref<8x2048xf32, #tpu.memory_space<vmem>>, vector<1x16xf32>,
          %parallel_loop3A_136 = vector.shape_cast %parallel_loop3A_135 : vector<1x16xf32> to vector<16xf32>
          %parallel_loop3A_137 = arith.subf %parallel_loop3A_136, %parallel_loop3A_132 : vector<16xf32>
          %parallel_loop3A_138 = arith.mulf %parallel_loop3A_137, %get3A_124 : vector<16xf32>
          %parallel_loop3A_139 = arith.addf %parallel_loop3A_132, %parallel_loop3A_138 : vector<16xf32>
          %parallel_loop3A_140 = arith.index_cast %scan3A_117 : i32 to index
          %parallel_loop3A_141 = arith.index_cast %parallel_loop3A_128 : i32 to index
          %parallel_loop3A_142 = tpu.vector_load %arg14[%parallel_loop3A_140, %parallel_loop3A_141] {strides = array<i32>} : memref<8x2048xf32, #tpu.memory_space<vmem>>, vector<1x16xf32>,
          %parallel_loop3A_143 = vector.shape_cast %parallel_loop3A_142 : vector<1x16xf32> to vector<16xf32>
          %parallel_loop3A_144 = vector.shape_cast %parallel_loop3A_139 : vector<16xf32> to vector<1x16xf32>
          tpu.vector_store %arg14[%parallel_loop3A_140, %parallel_loop3A_141], %parallel_loop3A_144 {strides = array<i32>} : memref<8x2048xf32, #tpu.memory_space<vmem>>, vector<1x16xf32>,
        } {sc.loop_unroll_factor = 8 : i64, sc.parallel_access}
        %scan3A_127 = arith.constant 0 : i32
        scf.yield %scan3A_127 : i32
      }
      %scan3A_69 = arith.constant 8 : i32
      %mul3A_70 = arith.constant 8 : i32
      %mul3A_71 = arith.muli %add3A_34, %mul3A_70 : i32
      %add3A_72 = arith.addi %mul3A_2, %mul3A_71 : i32
      %dma_start3A_73 = arith.constant 0 : i32
      %dma_start3A_74 = tpu.memref_slice %arg6[%add3A_72, %dma_start3A_73] : memref<4096x2048xf32, #tpu.memory_space<hbm>> -> memref<8x2048xf32, #tpu.memory_space<hbm>>
      %dma_start3A_75 = arith.constant 0 : i32
      %dma_start3A_76 = tpu.memref_slice %arg6[%add3A_72, %dma_start3A_75] : memref<4096x2048xf32, #tpu.memory_space<hbm>> -> memref<8x2048xf32, #tpu.memory_space<hbm>>
      tpu.enqueue_dma source(%arg14 : memref<8x2048xf32, #tpu.memory_space<vmem>>) target(%dma_start3A_76 : memref<8x2048xf32, #tpu.memory_space<hbm>>) target_semaphore(%arg20 : memref<!tpu.dma_semaphore, #tpu.memory_space<semaphore_mem>>)
      %mul3A_77 = arith.constant 2 : i32
      %mul3A_78 = arith.muli %mul3A_77, %scan3A_29 : i32
      %add3A_79 = arith.constant 1 : i32
      %add3A_80 = arith.addi %mul3A_78, %add3A_79 : i32
      %lt3A = arith.constant 7 : i32
      %lt3A_81 = arith.cmpi slt, %scan3A_29, %lt3A : i32
      %convert_element_type3A_82 = arith.extui %lt3A_81 : i1 to i32
      %cond3A_83 = arith.constant 0 : i32
      %cond3A_84 = arith.cmpi ne, %convert_element_type3A_82, %cond3A_83 : i32
      scf.if %cond3A_84 {
        %add3A_117 = arith.constant 1 : i32
        %add3A_118 = arith.addi %add3A_80, %add3A_117 : i32
        %mul3A_119 = arith.constant 8 : i32
        %mul3A_120 = arith.muli %add3A_118, %mul3A_119 : i32
        %dma_start3A_121 = tpu.memref_slice %arg7[%mul3A_120] : memref<128xi32, #tpu.memory_space<vmem>> -> memref<8xi32, #tpu.memory_space<vmem>>
        %dma_start3A_122 = arith.constant 0 : i32
        %dma_start3A_123 = arith.constant 0 : i32
        %dma_start3A_124 = tpu.memref_slice %arg2[%dma_start3A_122, %dma_start3A_123] : memref<32768x2048xf32, #tpu.memory_space<hbm>> -> memref<32768x2048xf32, #tpu.memory_space<hbm>>
        tpu.enqueue_indirect_dma source(%dma_start3A_124 : memref<32768x2048xf32, #tpu.memory_space<hbm>>) target(%arg10 : memref<8x2048xf32, #tpu.memory_space<vmem>>) offsets(%dma_start3A_121 : memref<8xi32, #tpu.memory_space<vmem>>) semaphore(%arg16 : memref<!tpu.dma_semaphore, #tpu.memory_space<semaphore_mem>>)
        %mul3A_125 = arith.constant 8 : i32
        %mul3A_126 = arith.muli %add3A_118, %mul3A_125 : i32
        %dma_start3A_127 = tpu.memref_slice %arg8[%mul3A_126] : memref<128xi32, #tpu.memory_space<vmem>> -> memref<8xi32, #tpu.memory_space<vmem>>
        %dma_start3A_128 = arith.constant 0 : i32
        %dma_start3A_129 = arith.constant 0 : i32
        %dma_start3A_130 = tpu.memref_slice %arg2[%dma_start3A_128, %dma_start3A_129] : memref<32768x2048xf32, #tpu.memory_space<hbm>> -> memref<32768x2048xf32, #tpu.memory_space<hbm>>
        tpu.enqueue_indirect_dma source(%dma_start3A_130 : memref<32768x2048xf32, #tpu.memory_space<hbm>>) target(%arg12 : memref<8x2048xf32, #tpu.memory_space<vmem>>) offsets(%dma_start3A_127 : memref<8xi32, #tpu.memory_space<vmem>>) semaphore(%arg18 : memref<!tpu.dma_semaphore, #tpu.memory_space<semaphore_mem>>)
      } else {
      }
      %mul3A_85 = arith.constant 8 : i32
      %mul3A_86 = arith.muli %add3A_80, %mul3A_85 : i32
      %dma_wait3A_87 = tpu.memref_slice %arg7[%mul3A_86] : memref<128xi32, #tpu.memory_space<vmem>> -> memref<8xi32, #tpu.memory_space<vmem>>
      %dma_wait3A_88 = arith.constant 0 : i32
      %dma_wait3A_89 = arith.constant 0 : i32
      %dma_wait3A_90 = tpu.memref_slice %arg2[%dma_wait3A_88, %dma_wait3A_89] : memref<32768x2048xf32, #tpu.memory_space<hbm>> -> memref<32768x2048xf32, #tpu.memory_space<hbm>>
      tpu.wait_indirect_dma semaphore(%arg17 : memref<!tpu.dma_semaphore, #tpu.memory_space<semaphore_mem>>) src(%dma_wait3A_90 : memref<32768x2048xf32, #tpu.memory_space<hbm>>) dst(%arg11 : memref<8x2048xf32, #tpu.memory_space<vmem>>)
      %mul3A_91 = arith.constant 8 : i32
      %mul3A_92 = arith.muli %add3A_80, %mul3A_91 : i32
      %dma_wait3A_93 = tpu.memref_slice %arg8[%mul3A_92] : memref<128xi32, #tpu.memory_space<vmem>> -> memref<8xi32, #tpu.memory_space<vmem>>
      %dma_wait3A_94 = arith.constant 0 : i32
      %dma_wait3A_95 = arith.constant 0 : i32
      %dma_wait3A_96 = tpu.memref_slice %arg2[%dma_wait3A_94, %dma_wait3A_95] : memref<32768x2048xf32, #tpu.memory_space<hbm>> -> memref<32768x2048xf32, #tpu.memory_space<hbm>>
      tpu.wait_indirect_dma semaphore(%arg19 : memref<!tpu.dma_semaphore, #tpu.memory_space<semaphore_mem>>) src(%dma_wait3A_96 : memref<32768x2048xf32, #tpu.memory_space<hbm>>) dst(%arg13 : memref<8x2048xf32, #tpu.memory_space<vmem>>)
      %ge3A_97 = arith.constant 2 : i32
      %ge3A_98 = arith.cmpi sge, %add3A_80, %ge3A_97 : i32
      %convert_element_type3A_99 = arith.extui %ge3A_98 : i1 to i32
      %cond3A_100 = arith.constant 0 : i32
      %cond3A_101 = arith.cmpi ne, %convert_element_type3A_99, %cond3A_100 : i32
      scf.if %cond3A_101 {
        %mul3A_117 = arith.constant 8 : i32
        %mul3A_118 = arith.muli %add3A_80, %mul3A_117 : i32
        %add3A_119 = arith.addi %mul3A_2, %mul3A_118 : i32
        %dma_wait3A_120 = arith.constant 0 : i32
        %dma_wait3A_121 = tpu.memref_slice %arg6[%add3A_119, %dma_wait3A_120] : memref<4096x2048xf32, #tpu.memory_space<hbm>> -> memref<8x2048xf32, #tpu.memory_space<hbm>>
        %dma_wait3A_122 = arith.constant 0 : i32
        %dma_wait3A_123 = tpu.memref_slice %arg6[%add3A_119, %dma_wait3A_122] : memref<4096x2048xf32, #tpu.memory_space<hbm>> -> memref<8x2048xf32, #tpu.memory_space<hbm>>
        tpu.wait_dma2 semaphore(%arg21 : memref<!tpu.dma_semaphore, #tpu.memory_space<semaphore_mem>>) src(%arg15 : memref<8x2048xf32, #tpu.memory_space<vmem>>) dst(%dma_wait3A_123 : memref<8x2048xf32, #tpu.memory_space<hbm>>)
      } else {
      }
      %scan3A_102 = arith.constant 0 : i32
      %scan3A_103 = arith.constant 0 : i32
      %scan3A_104 = arith.constant 8 : i32
      %scan3A_105 = arith.addi %scan3A_103, %scan3A_104 : i32
      %scan3A_106 = arith.constant 1 : i32
      %scan3A_107 = scf.for %scan3A_117 = %scan3A_103 to %scan3A_105 step %scan3A_106 iter_args(%scan3A_118 = %scan3A_102) -> (i32)  : i32 {
        %mul3A_119 = arith.constant 8 : i32
        %mul3A_120 = arith.muli %add3A_80, %mul3A_119 : i32
        %add3A_121 = arith.addi %mul3A_120, %scan3A_117 : i32
        %get3A = arith.index_cast %add3A_121 : i32 to index
        %get3A_122 = arith.constant 0 : index
        %get3A_123 = tpu.vector_load %arg9[%get3A, %get3A_122] {strides = array<i32>} : memref<128x16xf32, #tpu.memory_space<vmem>>, vector<1x16xf32>,
        %get3A_124 = vector.shape_cast %get3A_123 : vector<1x16xf32> to vector<16xf32>
        %parallel_loop3A = arith.constant 0 : i32
        %parallel_loop3A_125 = arith.constant 2048 : i32
        %parallel_loop3A_126 = arith.constant 16 : i32
        scf.for %parallel_loop3A_128 = %parallel_loop3A to %parallel_loop3A_125 step %parallel_loop3A_126  : i32 {
          %parallel_loop3A_129 = arith.index_cast %scan3A_117 : i32 to index
          %parallel_loop3A_130 = arith.index_cast %parallel_loop3A_128 : i32 to index
          %parallel_loop3A_131 = tpu.vector_load %arg13[%parallel_loop3A_129, %parallel_loop3A_130] {strides = array<i32>} : memref<8x2048xf32, #tpu.memory_space<vmem>>, vector<1x16xf32>,
          %parallel_loop3A_132 = vector.shape_cast %parallel_loop3A_131 : vector<1x16xf32> to vector<16xf32>
          %parallel_loop3A_133 = arith.index_cast %scan3A_117 : i32 to index
          %parallel_loop3A_134 = arith.index_cast %parallel_loop3A_128 : i32 to index
          %parallel_loop3A_135 = tpu.vector_load %arg11[%parallel_loop3A_133, %parallel_loop3A_134] {strides = array<i32>} : memref<8x2048xf32, #tpu.memory_space<vmem>>, vector<1x16xf32>,
          %parallel_loop3A_136 = vector.shape_cast %parallel_loop3A_135 : vector<1x16xf32> to vector<16xf32>
          %parallel_loop3A_137 = arith.subf %parallel_loop3A_136, %parallel_loop3A_132 : vector<16xf32>
          %parallel_loop3A_138 = arith.mulf %parallel_loop3A_137, %get3A_124 : vector<16xf32>
          %parallel_loop3A_139 = arith.addf %parallel_loop3A_132, %parallel_loop3A_138 : vector<16xf32>
          %parallel_loop3A_140 = arith.index_cast %scan3A_117 : i32 to index
          %parallel_loop3A_141 = arith.index_cast %parallel_loop3A_128 : i32 to index
          %parallel_loop3A_142 = tpu.vector_load %arg15[%parallel_loop3A_140, %parallel_loop3A_141] {strides = array<i32>} : memref<8x2048xf32, #tpu.memory_space<vmem>>, vector<1x16xf32>,
          %parallel_loop3A_143 = vector.shape_cast %parallel_loop3A_142 : vector<1x16xf32> to vector<16xf32>
          %parallel_loop3A_144 = vector.shape_cast %parallel_loop3A_139 : vector<16xf32> to vector<1x16xf32>
          tpu.vector_store %arg15[%parallel_loop3A_140, %parallel_loop3A_141], %parallel_loop3A_144 {strides = array<i32>} : memref<8x2048xf32, #tpu.memory_space<vmem>>, vector<1x16xf32>,
        } {sc.loop_unroll_factor = 8 : i64, sc.parallel_access}
        %scan3A_127 = arith.constant 0 : i32
        scf.yield %scan3A_127 : i32
      }
      %scan3A_108 = arith.constant 8 : i32
      %mul3A_109 = arith.constant 8 : i32
      %mul3A_110 = arith.muli %add3A_80, %mul3A_109 : i32
      %add3A_111 = arith.addi %mul3A_2, %mul3A_110 : i32
      %dma_start3A_112 = arith.constant 0 : i32
      %dma_start3A_113 = tpu.memref_slice %arg6[%add3A_111, %dma_start3A_112] : memref<4096x2048xf32, #tpu.memory_space<hbm>> -> memref<8x2048xf32, #tpu.memory_space<hbm>>
      %dma_start3A_114 = arith.constant 0 : i32
      %dma_start3A_115 = tpu.memref_slice %arg6[%add3A_111, %dma_start3A_114] : memref<4096x2048xf32, #tpu.memory_space<hbm>> -> memref<8x2048xf32, #tpu.memory_space<hbm>>
      tpu.enqueue_dma source(%arg15 : memref<8x2048xf32, #tpu.memory_space<vmem>>) target(%dma_start3A_115 : memref<8x2048xf32, #tpu.memory_space<hbm>>) target_semaphore(%arg21 : memref<!tpu.dma_semaphore, #tpu.memory_space<semaphore_mem>>)
      %scan3A_116 = arith.constant 0 : i32
      scf.yield %scan3A_116 : i32
    }
    %scan3A_17 = arith.constant 8 : i32
    %add3A_18 = arith.constant 112 : i32
    %add3A_19 = arith.addi %mul3A_2, %add3A_18 : i32
    %dma_wait3A = arith.constant 0 : i32
    %dma_wait3A_20 = tpu.memref_slice %arg6[%add3A_19, %dma_wait3A] : memref<4096x2048xf32, #tpu.memory_space<hbm>> -> memref<8x2048xf32, #tpu.memory_space<hbm>>
    %dma_wait3A_21 = arith.constant 0 : i32
    %dma_wait3A_22 = tpu.memref_slice %arg6[%add3A_19, %dma_wait3A_21] : memref<4096x2048xf32, #tpu.memory_space<hbm>> -> memref<8x2048xf32, #tpu.memory_space<hbm>>
    tpu.wait_dma2 semaphore(%arg20 : memref<!tpu.dma_semaphore, #tpu.memory_space<semaphore_mem>>) src(%arg14 : memref<8x2048xf32, #tpu.memory_space<vmem>>) dst(%dma_wait3A_22 : memref<8x2048xf32, #tpu.memory_space<hbm>>)
    %add3A_23 = arith.constant 120 : i32
    %add3A_24 = arith.addi %mul3A_2, %add3A_23 : i32
    %dma_wait3A_25 = arith.constant 0 : i32
    %dma_wait3A_26 = tpu.memref_slice %arg6[%add3A_24, %dma_wait3A_25] : memref<4096x2048xf32, #tpu.memory_space<hbm>> -> memref<8x2048xf32, #tpu.memory_space<hbm>>
    %dma_wait3A_27 = arith.constant 0 : i32
    %dma_wait3A_28 = tpu.memref_slice %arg6[%add3A_24, %dma_wait3A_27] : memref<4096x2048xf32, #tpu.memory_space<hbm>> -> memref<8x2048xf32, #tpu.memory_space<hbm>>
    tpu.wait_dma2 semaphore(%arg21 : memref<!tpu.dma_semaphore, #tpu.memory_space<semaphore_mem>>) src(%arg15 : memref<8x2048xf32, #tpu.memory_space<vmem>>) dst(%dma_wait3A_28 : memref<8x2048xf32, #tpu.memory_space<hbm>>)
    return
  }
}

module attributes {stable_mosaic.version = 14 : i64} {
  func.func @_gating_body(%arg0: i32, %arg1: memref<512x2048xf32, #tpu.memory_space<vmem>>, %arg2: memref<8x2048xf32, #tpu.memory_space<vmem>>, %arg3: memref<1x8xf32, #tpu.memory_space<vmem>>, %arg4: memref<512xi32, #tpu.memory_space<vmem>>, %arg5: memref<512xi32, #tpu.memory_space<vmem>>, %arg6: memref<512x16xf32, #tpu.memory_space<vmem>>) attributes {dimension_semantics = [#tpu.dimension_semantics<arbitrary>], iteration_bounds = array<i64: 8>, scalar_prefetch = 0 : i64, scratch_operands = 0 : i64, tpu.core_type = #tpu.core_type<tc>, window_params = [{transform_indices = @transform_0, window_bounds = array<i64: 512, 2048>}, {pipeline_mode = #tpu.pipeline_mode<synchronous>, transform_indices = @transform_1, window_bounds = array<i64: 8, 2048>}, {pipeline_mode = #tpu.pipeline_mode<synchronous>, transform_indices = @transform_2, window_bounds = array<i64: 1, 8>}, {transform_indices = @transform_3, window_bounds = array<i64: 512>}, {transform_indices = @transform_4, window_bounds = array<i64: 512>}, {transform_indices = @transform_5, window_bounds = array<i64: 512, 16>}]} {
    %get3A = arith.constant 0 : index
    %get3A_0 = arith.constant 0 : index
    %get3A_1 = vector.load %arg1[%get3A, %get3A_0] : memref<512x2048xf32, #tpu.memory_space<vmem>>, vector<512x2048xf32>
    %get3A_2 = arith.constant 0 : index
    %get3A_3 = arith.constant 0 : index
    %get3A_4 = vector.load %arg2[%get3A_2, %get3A_3] : memref<8x2048xf32, #tpu.memory_space<vmem>>, vector<8x2048xf32>
    %get3A_5 = arith.constant 0 : index
    %get3A_6 = arith.constant 0 : index
    %get3A_7 = vector.load %arg3[%get3A_5, %get3A_6] : memref<1x8xf32, #tpu.memory_space<vmem>>, vector<1x8xf32>
    %dot_general3A = arith.constant dense<0.000000e+00> : vector<512x8xf32>
    %dot_general3A_8 = tpu.matmul %get3A_1, %get3A_4, %dot_general3A {dimension_numbers = #tpu.dot_dimension_numbers<[1], [1], [0], [0], [0, 0, 1, 0], [], []>, transpose_lhs_hint = false} : vector<512x2048xf32>, vector<8x2048xf32>, vector<512x8xf32> -> vector<512x8xf32>
    %add3A = vector.broadcast %get3A_7 : vector<1x8xf32> to vector<512x8xf32>
    %add3A_9 = arith.addf %dot_general3A_8, %add3A : vector<512x8xf32>
    %iota3A = tpu.iota {dimensions = array<i32: 1>} : vector<512x8xi32>
    %reduce_max3A = arith.constant dense<0xFF800000> : vector<512xf32>
    %reduce_max3A_10 = vector.multi_reduction <maximumf>, %add3A_9, %reduce_max3A [1] : vector<512x8xf32> to vector<512xf32>
    %broadcast_in_dim3A = vector.shape_cast %reduce_max3A_10 : vector<512xf32> to vector<512x1xf32>
    %eq3A = vector.broadcast %broadcast_in_dim3A : vector<512x1xf32> to vector<512x8xf32>
    %eq3A_11 = arith.cmpf oeq, %add3A_9, %eq3A : vector<512x8xf32>
    %jit3A = arith.constant 8 : i32
    %broadcast_in_dim3A_12 = vector.broadcast %jit3A : i32 to vector<512x8xi32>
    %select_n3A = arith.select %eq3A_11, %iota3A, %broadcast_in_dim3A_12 : vector<512x8xi1>, vector<512x8xi32>
    %reduce_min3A = arith.constant dense<2147483647> : vector<512xi32>
    %reduce_min3A_13 = vector.multi_reduction <minsi>, %select_n3A, %reduce_min3A [1] : vector<512x8xi32> to vector<512xi32>
    %broadcast_in_dim3A_14 = vector.shape_cast %reduce_min3A_13 : vector<512xi32> to vector<512x1xi32>
    %eq3A_15 = vector.broadcast %broadcast_in_dim3A_14 : vector<512x1xi32> to vector<512x8xi32>
    %eq3A_16 = arith.cmpi eq, %iota3A, %eq3A_15 : vector<512x8xi32>
    %jit3A_17 = arith.constant 0xFF800000 : f32
    %broadcast_in_dim3A_18 = vector.broadcast %jit3A_17 : f32 to vector<512x8xf32>
    %select_n3A_19 = arith.select %eq3A_16, %broadcast_in_dim3A_18, %add3A_9 : vector<512x8xi1>, vector<512x8xf32>
    %reduce_max3A_20 = arith.constant dense<0xFF800000> : vector<512xf32>
    %reduce_max3A_21 = vector.multi_reduction <maximumf>, %select_n3A_19, %reduce_max3A_20 [1] : vector<512x8xf32> to vector<512xf32>
    %broadcast_in_dim3A_22 = vector.shape_cast %reduce_max3A_21 : vector<512xf32> to vector<512x1xf32>
    %sub3A = arith.subf %broadcast_in_dim3A_22, %broadcast_in_dim3A : vector<512x1xf32>
    %exp3A = math.exp %sub3A : vector<512x1xf32>
    %add3A_23 = arith.constant 1.000000e+00 : f32
    %add3A_24 = vector.broadcast %add3A_23 : f32 to vector<512x1xf32>
    %add3A_25 = arith.addf %add3A_24, %exp3A : vector<512x1xf32>
    %div3A = arith.constant 1.000000e+00 : f32
    %div3A_26 = vector.broadcast %div3A : f32 to vector<512x1xf32>
    %div3A_27 = arith.divf %div3A_26, %add3A_25 : vector<512x1xf32>
    %broadcast_in_dim3A_28 = vector.shape_cast %div3A_27 : vector<512x1xf32> to vector<512x1xf32>
    %broadcast_in_dim3A_29 = vector.broadcast %broadcast_in_dim3A_28 : vector<512x1xf32> to vector<512x16xf32>
    %swap3A = arith.constant 0 : index
    %swap3A_30 = arith.constant 0 : index
    %swap3A_31 = vector.load %arg6[%swap3A, %swap3A_30] : memref<512x16xf32, #tpu.memory_space<vmem>>, vector<512x16xf32>
    tpu.vector_store %arg6[%swap3A, %swap3A_30], %broadcast_in_dim3A_29 {strides = array<i32>} : memref<512x16xf32, #tpu.memory_space<vmem>>, vector<512x16xf32>,
    %mul3A = arith.constant 512 : i32
    %mul3A_32 = arith.muli %arg0, %mul3A : i32
    %iota3A_33 = tpu.iota {dimensions = array<i32: 1>} : vector<1x512xi32>
    %iota3A_34 = vector.shape_cast %iota3A_33 : vector<1x512xi32> to vector<512xi32>
    %add3A_35 = vector.broadcast %mul3A_32 : i32 to vector<512xi32>
    %add3A_36 = arith.addi %add3A_35, %iota3A_34 : vector<512xi32>
    %eq3A_37 = vector.broadcast %broadcast_in_dim3A : vector<512x1xf32> to vector<512x8xf32>
    %eq3A_38 = arith.cmpf oeq, %add3A_9, %eq3A_37 : vector<512x8xf32>
    %jit3A_39 = arith.constant 8 : i32
    %broadcast_in_dim3A_40 = vector.broadcast %jit3A_39 : i32 to vector<512x8xi32>
    %select_n3A_41 = arith.select %eq3A_38, %iota3A, %broadcast_in_dim3A_40 : vector<512x8xi1>, vector<512x8xi32>
    %reduce_min3A_42 = arith.constant dense<2147483647> : vector<512xi32>
    %reduce_min3A_43 = vector.multi_reduction <minsi>, %select_n3A_41, %reduce_min3A_42 [1] : vector<512x8xi32> to vector<512xi32>
    %eq3A_44 = vector.broadcast %broadcast_in_dim3A_22 : vector<512x1xf32> to vector<512x8xf32>
    %eq3A_45 = arith.cmpf oeq, %select_n3A_19, %eq3A_44 : vector<512x8xf32>
    %jit3A_46 = arith.constant 8 : i32
    %broadcast_in_dim3A_47 = vector.broadcast %jit3A_46 : i32 to vector<512x8xi32>
    %select_n3A_48 = arith.select %eq3A_45, %iota3A, %broadcast_in_dim3A_47 : vector<512x8xi1>, vector<512x8xi32>
    %reduce_min3A_49 = arith.constant dense<2147483647> : vector<512xi32>
    %reduce_min3A_50 = vector.multi_reduction <minsi>, %select_n3A_48, %reduce_min3A_49 [1] : vector<512x8xi32> to vector<512xi32>
    %mul3A_51 = arith.constant 4096 : i32
    %mul3A_52 = vector.broadcast %mul3A_51 : i32 to vector<512xi32>
    %mul3A_53 = arith.muli %reduce_min3A_43, %mul3A_52 : vector<512xi32>
    %add3A_54 = arith.addi %mul3A_53, %add3A_36 : vector<512xi32>
    %swap3A_55 = arith.constant 0 : index
    %swap3A_56 = vector.load %arg4[%swap3A_55] : memref<512xi32, #tpu.memory_space<vmem>>, vector<512xi32>
    tpu.vector_store %arg4[%swap3A_55], %add3A_54 {strides = array<i32>} : memref<512xi32, #tpu.memory_space<vmem>>, vector<512xi32>,
    %mul3A_57 = arith.constant 4096 : i32
    %mul3A_58 = vector.broadcast %mul3A_57 : i32 to vector<512xi32>
    %mul3A_59 = arith.muli %reduce_min3A_50, %mul3A_58 : vector<512xi32>
    %add3A_60 = arith.addi %mul3A_59, %add3A_36 : vector<512xi32>
    %swap3A_61 = arith.constant 0 : index
    %swap3A_62 = vector.load %arg5[%swap3A_61] : memref<512xi32, #tpu.memory_space<vmem>>, vector<512xi32>
    tpu.vector_store %arg5[%swap3A_61], %add3A_60 {strides = array<i32>} : memref<512xi32, #tpu.memory_space<vmem>>, vector<512xi32>,
    return
  }
  func.func @transform_0(%arg0: i32) -> (i32, i32) {
    %c0_i32 = arith.constant 0 : i32
    %c0_i32_0 = arith.constant 0 : i32
    return %arg0, %c0_i32 : i32, i32
  }
  func.func @transform_1(%arg0: i32) -> (i32, i32) {
    %c0_i32 = arith.constant 0 : i32
    %c0_i32_0 = arith.constant 0 : i32
    %c0_i32_1 = arith.constant 0 : i32
    return %c0_i32, %c0_i32_0 : i32, i32
  }
  func.func @transform_2(%arg0: i32) -> (i32, i32) {
    %c0_i32 = arith.constant 0 : i32
    %c0_i32_0 = arith.constant 0 : i32
    %c0_i32_1 = arith.constant 0 : i32
    return %c0_i32, %c0_i32_0 : i32, i32
  }
  func.func @transform_3(%arg0: i32) -> i32 {
    %c0_i32 = arith.constant 0 : i32
    return %arg0 : i32
  }
  func.func @transform_4(%arg0: i32) -> i32 {
    %c0_i32 = arith.constant 0 : i32
    return %arg0 : i32
  }
  func.func @transform_5(%arg0: i32) -> (i32, i32) {
    %c0_i32 = arith.constant 0 : i32
    %c0_i32_0 = arith.constant 0 : i32
    return %arg0, %c0_i32 : i32, i32
  }
}

</mosaic_0001>

<sc_bundles>
// kernel: kernel.4.cloned.1.call-start
scs
__scs_entry_jumppad:
0x0: {  	(pc) =	sbr.rel $0x88, $3  }
0x1: {  	(tag) =	ssettag $0x0;
	lr =	simm.s32 $0x1  }
0x2: {  	[smem:$0x3F9D] =	sst lr;
	_ =	strace $0xD0000000  }
0x3: {  	_ = 	snop  }
0x4: {  	_ = 	snop  }
0x5: {  	_ = 	snop  }
0x6: {  	_ = 	snop  }
0x7: {  	_ = 	snop  }
__scs_overlays_trampoline_lowered:
0x8: {  	[smem:$0x3FAC] =	sst s0  }
0x9: {  	[smem:$0x3FAD] =	sst s1  }
0xa: {  	[smem:$0x3FAE] =	sst s2  }
0xb: {  	[smem:$0x3FAF] =	sst s3  }
0xc: {  	[smem:$0x3FB0] =	sst s4  }
0xd: {  	[smem:$0x3FB1] =	sst s5  }
0xe: {  	[smem:$0x3FB2] =	sst s6  }
0xf: {  	[smem:$0x3FB3] =	sst s7  }
0x10: {  	[smem:$0x3FB4] =	sst s8  }
0x11: {  	[smem:$0x3FB5] =	sst s9;
	s0 =	simm.s32 @!p0 $0x0  }
0x12: {  	s1 =	sld [smem:$0x3F9B];
	s0 =	simm.s32 @p0 $0x1  }
0x13: {  	[smem:$0x3FB6] =	sst s0;
	s0 =	simm.s32 @!p1 $0x0  }
0x14: {  	s2 =	sld [smem:$0x3F9A];
	s0 =	simm.s32 @p1 $0x1  }
0x15: {  	[smem:$0x3FB7] =	sst s0;
	s0 =	simm.s32 @!p2 $0x0  }
0x16: {  	s3 =	sld [smem:$0x3FDB];
	s0 =	simm.s32 @p2 $0x1  }
0x17: {  	s4 =	simm.s32 $0x1BF5;
	[smem:$0x3FB9] =	sst s0  }
0x18: {  	s0 =	sld [smem:$0x3F9C];
	_ =	swait.ge [sflag:s4], $0x0  }
0x19: {  	s7 =	sld [smem:$0x3F9D]  }
0x1a: {  	s8 =	sadd.s32 $0xFFFFE003, lr  }
0x1b: {  	s9 =	sadd.s32 $0xFFFFFEF7, lr;
	s5 =	simm.s32 $0xFFFFFFFF;
	p2 =	slt.u32 s8, $0xFFFFF086  }
0x1c: {  	p1 =	slt.u32 s9, $0xF7A;
	s5 =	simm.s32 @!p2 $0x0  }
0x1d: {  	s5 =	simm.s32 @p1 $0x1;
	p0 =	seq.s32 s7, s2  }
0x1e: {  	s7 =	smul.u32 @!p0 $0xF7A, s2;
	p2 =	seq.s32 @!p0 s5, $0x0  }
0x1f: {  	s9 =	smul.u32 $0xF7A, s1;
	s8 =	simm.s32 @!p0 $0x1BF5;
	p2 =	por !p2, p0  }
0x20: {  	[sflag:s8] =	ssyncset.s32 @!p0 $0xFFFFF086;
	s6 =	sadd.s32 @!p0 s3, s7;
	s7 =	simm.s32 @!p0 $0x108  }
0x21: {  	s3 =	sadd.s32 s3, s9;
	s6 =	sadd.s32 @!p0 $0x88, s6;
	s7 =	simm.s32 @p2 $0x1082  }
0x22: {  	[simem:s7], [sflag:s8] =	dma.local @!p0 [hbm:s6], $0xF7A  }
0x23: {  	s9 =	sor.u32 $0xD0000000, s2;
	s6 =	simm.s32 $0x108;
	_ =	swait.ge @!p0 [sflag:s8], $0x0  }
0x24: {  	s3 =	sadd.s32 $0x88, s3;
	s6 =	simm.s32 @!p1 $0x1082;
	[sflag:s4] =	ssyncset.s32 $0xFFFFF086  }
0x25: {  	[simem:s6], [sflag:s4] =	dma.local [hbm:s3], $0xF7A  }
0x26: {  	[smem:$0x3F9D] =	sst s1;
	(tag) =	ssettag s2;
	_ =	strace s9  }
0x27: {  	s1 =	sld [smem:$0x3FAD]  }
0x28: {  	s2 =	sld [smem:$0x3FAE]  }
0x29: {  	s4 =	sld [smem:$0x3FB0]  }
0x2a: {  	p0 =	seq.s32 s5, $0x0;
	s5 =	sld [smem:$0x3FB1]  }
0x2b: {  	s6 =	sld [smem:$0x3FB2]  }
0x2c: {  	s7 =	sld [smem:$0x3FB3]  }
0x2d: {  	s3 =	simm.s32 $0x108;
	s8 =	sld [smem:$0x3FB4]  }
0x2e: {  	s3 =	simm.s32 @!p0 $0x1082;
	s9 =	sld [smem:$0x3FB5]  }
0x2f: {  	lr =	sadd.s32 s0, s3;
	s0 =	sld [smem:$0x3FAC]  }
0x30: {  	s3 =	sld [smem:$0x3FAF]  }
0x31: {  	[smem:$0x3FB8] =	sst s10  }
0x32: {  	s10 =	sld [smem:$0x3FB6];
	_ =	sdelay $0x3  }
0x33: {  	p0 =	seq.s32 s10, $0x1;
	s10 =	sld [smem:$0x3FB8];
	_ =	sdelay $0x3  }
0x34: {  	[smem:$0x3FB8] =	sst s10  }
0x35: {  	s10 =	sld [smem:$0x3FB7];
	_ =	sdelay $0x3  }
0x36: {  	p1 =	seq.s32 s10, $0x1;
	s10 =	sld [smem:$0x3FB8];
	_ =	sdelay $0x3  }
0x37: {  	[smem:$0x3FB8] =	sst s10  }
0x38: {  	s10 =	sld [smem:$0x3FB9]  }
0x39: {  	_ = 	snop;
	(pc) =	sbr.ind lr, $3  }
0x3a: {  	_ = 	snop  }
0x3b: {  	_ = 	snop  }
0x3c: {  	p2 =	seq.s32 s10, $0x1;
	s10 =	sld [smem:$0x3FB8]  }
0x3d: {  	_ =	shalt  }
0x3e: {  	_ =	shalt  }
0x3f: {  	_ =	shalt  }
0x40: {  	_ =	shalt  }
0x41: {  	_ =	shalt  }
0x42: {  	_ =	shalt  }
0x43: {  	_ =	shalt  }
0x44: {  	_ =	shalt  }
0x45: {  	_ =	shalt  }
0x46: {  	_ =	shalt  }
0x47: {  	_ =	shalt  }
0x48: {  	_ =	shalt  }
0x49: {  	_ =	shalt  }
0x4a: {  	_ =	shalt  }
0x4b: {  	_ =	shalt  }
0x4c: {  	_ =	shalt  }
0x4d: {  	_ =	shalt  }
0x4e: {  	_ =	shalt  }
0x4f: {  	_ =	shalt  }
0x50: {  	_ =	shalt  }
0x51: {  	_ =	shalt  }
0x52: {  	_ =	shalt  }
0x53: {  	_ =	shalt  }
0x54: {  	_ =	shalt  }
0x55: {  	_ =	shalt  }
0x56: {  	_ =	shalt  }
0x57: {  	_ =	shalt  }
0x58: {  	_ =	shalt  }
0x59: {  	_ =	shalt  }
0x5a: {  	_ =	shalt  }
0x5b: {  	_ =	shalt  }
0x5c: {  	_ =	shalt  }
0x5d: {  	_ =	shalt  }
0x5e: {  	_ =	shalt  }
0x5f: {  	_ =	shalt  }
0x60: {  	_ =	shalt  }
0x61: {  	_ =	shalt  }
0x62: {  	_ =	shalt  }
0x63: {  	_ =	shalt  }
0x64: {  	_ =	shalt  }
0x65: {  	_ =	shalt  }
0x66: {  	_ =	shalt  }
0x67: {  	_ =	shalt  }
0x68: {  	_ =	shalt  }
0x69: {  	_ =	shalt  }
0x6a: {  	_ =	shalt  }
0x6b: {  	_ =	shalt  }
0x6c: {  	_ =	shalt  }
0x6d: {  	_ =	shalt  }
0x6e: {  	_ =	shalt  }
0x6f: {  	_ =	shalt  }
0x70: {  	_ =	shalt  }
0x71: {  	_ =	shalt  }
0x72: {  	_ =	shalt  }
0x73: {  	_ =	shalt  }
0x74: {  	_ =	shalt  }
0x75: {  	_ =	shalt  }
0x76: {  	_ =	shalt  }
0x77: {  	_ =	shalt  }
0x78: {  	_ =	shalt  }
0x79: {  	_ =	shalt  }
0x7a: {  	_ =	shalt  }
0x7b: {  	_ =	shalt  }
0x7c: {  	_ =	shalt  }
0x7d: {  	_ =	shalt  }
0x7e: {  	_ =	shalt  }
0x7f: {  	_ =	shalt  }
0x80: {  	_ =	shalt  }
0x81: {  	_ =	shalt  }
0x82: {  	_ =	shalt  }
0x83: {  	_ =	shalt  }
0x84: {  	_ =	shalt  }
0x85: {  	_ =	shalt  }
0x86: {  	_ =	shalt  }
0x87: {  	_ =	shalt  }
.Lfunc_end0:
.L_simem_size_0:
called_computation_lowered:
.L_overlay_start_0:
0x88: {  	s2 =	sld [smem:$0x3FD9]  }
0x89: {  	s3 =	sld [smem:$0x3FFE];
	_ =	sdelay $0x1  }
0x8a: {  	s1 =	srdreg.scid  }
0x8b: {  	s0 =	sand.u32 $0x1, s1  }
0x8c: {  	s17 =	sshll.u32 s0, $0xA;
	s2 =	sadd.s32 s3, s2  }
0x8d: {  	s2 =	sadd.s32 s2, s17  }
0x8e: {  	[smem:$0x3FC4] =	sst s2  }
0x8f: {  	_ = 	snop  }
0x90: {  	s2 =	sld [smem:$0x3FC8]  }
0x91: {  	s18 =	sld [smem:$0x3FD0];
	(tm) =	ssettm $0x1  }
0x92: {  	s4 =	sld [smem:$0x3FFB];
	_ =	sdelay $0x3  }
0x93: {  	_ =	strace s4  }
0x94: {  	s4 =	sld [smem:$0x3FFC];
	_ =	sdelay $0x3  }
0x95: {  	_ =	strace s4  }
0x96: {  	s4 =	sld [smem:$0x3FFD];
	_ =	sdelay $0x3  }
0x97: {  	_ =	strace s4  }
0x98: {  	_ =	strace $0x8FFFFFFF  }
0x99: {  	s19 =	sld [smem:$0x3FDB];
	_ =	sdelay $0x1  }
0x9a: {  	s5 =	simm.s32 $_scs_section_size  }
0x9b: {  	s6 =	simm.s32 $_size__tile_overlayer_lowered;
	s7 =	simm.s32 $_tile_overlayer_lowered  }
0x9c: {  	s22 =	simm.s32 $0x1BFF;
	s21 =	sshll.u32 s7, $0x1;
	s4 =	sadd.s32 s5, s19  }
0x9d: {  	s8 =	simm.s32 $0x0;
	s20 =	sshll.u32 s6, $0x1;
	s6 =	sadd.s32 s21, s4  }
0x9e: {  	[timem:s8], [sflag:s22] =	dma.local [hbm:s6], s20  }
0x9f: {  	_ =	swait.ge [sflag:s22], s20  }
0xa0: {  	s5 =	ssub.s32 $0x0, s20;
	[sflag:s22] =	ssyncset.done $0x0  }
0xa1: {  	[sflag:s22] =	ssyncadd.s32 s5;
	_ =	sdelay $0x1  }
0xa2: {  	s23 =	simm.s32 $0x1B8B  }
0xa3: {  	_ =	swait.ge [sflag:s23], $0x1  }
0xa4: {  	[sflag:s23] =	ssyncset.done $0x0  }
0xa5: {  	s25 =	simm.s32 $0x1B8E;
	s24 =	sld [smem:$0x3FFE];
	[sflag:s23] =	ssyncadd.s32 $0xFFFFFFFF  }
0xa6: {  	s26 =	simm.s32 $execute0_lowered;
	[smem:$0x3FD2] =	sst s25  }
0xa7: {  	s6 =	sshll.u32 s26, $0x1;
	_ =	strace $0x80000046;
	[dreg:$0x1] =	wrdreg $0xFFFFFFFF  }
0xa8: {  	s28 =	simm.s32 $_size_execute0_lowered;
	s4 =	sadd.s32 s4, s6;
	[dreg:$0x0] =	wrdreg $0x0  }
0xa9: {  	s6 =	sshll.u32 s28, $0x1;
	[dreg:$0x2] =	wrdreg s4  }
0xaa: {  	[dreg:$0x3] =	wrdreg s6  }
0xab: {  	[dreg:$0x4] =	wrdreg $0xC0  }
0xac: {  	_ =	task [dreg:s8], $0x5FFFF  }
0xad: {  	[dreg:$0x1] =	wrdreg $0xFFFFFFFF  }
0xae: {  	[dreg:$0x0] =	wrdreg $0x60  }
0xaf: {  	[dreg:$0x2] =	wrdreg s2  }
0xb0: {  	[dreg:$0x3] =	wrdreg s24  }
0xb1: {  	[dreg:$0x4] =	wrdreg s18  }
0xb2: {  	[dreg:$0x5] =	wrdreg $0x9  }
0xb3: {  	_ =	task.clear_ibuf [dreg:s8], $0x6FFFF;
	_ =	strace $0x90000046  }
0xb4: {  	s29 =	simm.s32 $0x9;
	_ =	strace $0x80000048  }
0xb5: {  	_ =	swait.ge [sflag:s29], $0x1  }
0xb6: {  	[sflag:s29] =	ssyncadd.s32 $0xFFFFFFFF  }
0xb7: {  	_ =	strace $0x90000048  }
0xb8: {  	_ =	sfence  }
0xb9: {  	s30 =	sld [smem:$0x0];
	_ =	sdelay $0x2  }
0xba: {  	s31 =	sshll.u32 s1, $0xD;
	s1 =	sshrl.u32 s1, $0x2  }
0xbb: {  	s3 =	sand.u32 $0x4000, s31;
	s1 =	sadd.s32 s1, s30  }
0xbc: {  	s0 =	sor.u32 s3, s0;
	s1 =	sshll.u32 s1, $0x11  }
0xbd: {  	s0 =	sor.u32 s1, s0  }
0xbe: {  	s0 =	sadd.s32 $0x8F2B, s0  }
0xbf: {  	[sflag:s0] =	ssyncadd.remote.s32 $0x1  }
0xc0: {  	_ =	sfence.sel $0xFFFF  }
0xc1: {  	[dreg:$0x0] =	wrdreg $0xFFFFFFFF;
	(pc) =	sbr.abs _section_cstart, $3  }
0xc2: {  	[dreg:$0x1] =	wrdreg $0xFFFFFFFF  }
0xc3: {  	_ =	task.clear_ibuf [dreg:s8], $0x2FFFF;
	_ =	strace $0x9FFFFFFF  }
0xc4: {  	(tm) =	ssettm $0x7FFFFFFF  }
0xc5: {  	_ =	shalt  }
tec
execute0_lowered:
.L_overlay_start_1:
0x0: {  	(tag) =	ssettag $0x1  }
0x1: {  	s1 =	rddreg [dreg:$0x0]  }
0x2: {  	s0 =	rddreg [dreg:$0x1]  }
0x3: {  	s8 =	rddreg [dreg:$0x2];
	s2 =	srdreg.scid  }
0x4: {  	s4 =	simm.s32 $0x0;
	s3 =	stileid.u32;
	s22 =	simm.s32 $0x12900  }
0x5: {  	s17 =	simm.s32 $0x3;
	s18 =	simm.s32 $0x14100;
	s23 =	simm.s32 $0x4  }
0x6: {  	s24 =	simm.s32 $0x18100;
	s19 =	simm.s32 $0x0;
	s2 =	sand.u32 $0x1, s2  }
0x7: {  	[smem:$0x7FF] =	sst s4;
	s3 =	sshll.u32 s3, $0x8;
	s9 =	sadd.s32 $0x100, s1  }
0x8: {  	s10 =	sadd.s32 $0x200, s1;
	s11 =	sadd.s32 $0x300, s1;
	s12 =	sadd.s32 $0x400, s1  }
0x9: {  	s13 =	sadd.s32 $0x500, s1;
	s14 =	sadd.s32 $0x600, s1;
	s5 =	sshll.u32 s2, $0x7  }
0xa: {  	s15 =	sadd.s32 $0x700, s1;
	s2 =	ssub.s32 $0x2, s2;
	s5 =	sor.u32 s5, s3  }
0xb: {  	_ =	strace $0x80000047;
	s7 =	sshrl.u32 s2, $0x1;
	s3 =	sshrl.u32 s5, $0x3  }
0xc: {  	s6 =	sshll.u32 s5, $0x4;
	s2 =	ssub.s32 s2, s7;
	s30 =	sshll.u32 s5, $0x8  }
0xd: {  	s7 =	simm.s32 $0x13900;
	s3 =	sadd.s32 s3, s0;
	s31 =	smax.u32 s2, $0x1  }
0xe: {  	s0 =	sadd.s32 s6, s0;
	s29 =	sadd.s32 $0x11000, s3;
	[dreg:$0x7] =	wrdreg s31  }
0xf: {  	v0 =	vlaneseq.u32;
	s16 =	sadd.s32 s8, s30;
	s3 =	sadd.s32 $0x11200, s3;
	[dreg:$0x4] =	wrdreg s29  }
0x10: {  	v1 =	vshrl.u32 v0, $0x3;
	s6 =	simm.s32 $0x13100;
	s0 =	sadd.s32 $0x1000, s0;
	[dreg:$0x5] =	wrdreg s3  }
0x11: {  	vm0 =	vmmov $0xffff;
	v0 =	vand.u32 $0x7, v0;
	v1 =	vmul.u32 $0x8, v1;
	s8 =	simm.s32 $0x1;
	[dreg:$0x6] =	wrdreg s0;
	s3 =	simm.s32 $0x2  }
.LBB2_1:
0x12: {  	[dreg:$0x8] =	wrdreg s19  }
0x13: {  	s0 =	rddreg [dreg:$0x4];
	s2 =	simm.s32 $0x7  }
0x14: {  	[tilespmem:s4], [sflag:$0x7] =	stream.linear.gather [hbm4b:s0+s4], $0x80, $0x38;
	[tilespmem:$0x1C100] =	vst v63  }
0x15: {  	_ =	swait.ge [sflag:s2], $0x80  }
0x16: {  	[sflag:s2] =	ssyncset.done $0x0  }
0x17: {  	s31 =	simm.s32 $0x80;
	s30 =	rddreg [dreg:$0x5];
	[sflag:s2] =	ssyncadd.s32 $0xFFFFFF80  }
0x18: {  	[tilespmem:s31], [sflag:$0x7] =	stream.linear.gather [hbm4b:s30+s4], $0x80, $0x38;
	[tilespmem:$0x1C100] =	vst v63  }
0x19: {  	_ =	swait.ge [sflag:s2], $0x80  }
0x1a: {  	[sflag:s2] =	ssyncset.done $0x0  }
0x1b: {  	s21 =	simm.s32 $0x100;
	s20 =	rddreg [dreg:$0x6];
	[sflag:s2] =	ssyncadd.s32 $0xFFFFFF80  }
0x1c: {  	[tilespmem:s21], [sflag:$0x7] =	stream.linear.gather [hbm4b:s20+s4], $0x4000, $0x38;
	[tilespmem:$0x1C100] =	vst v63  }
0x1d: {  	_ =	swait.ge [sflag:s2], $0x4000  }
0x1e: {  	[sflag:s2] =	ssyncset.done $0x0  }
0x1f: {  	[sflag:s2] =	ssyncadd.s32 $0xFFFFC000  }
0x20: {  	v2 =	vld.msk [tilespmem:$0x0], $0xff;
	_ =	sdelay $0x4  }
0x21: {  	v3 =	vshll.u32 v2, $0x4  }
0x22: {  	v2 =	vand.u32 $0x7, v2;
	v3 =	vand.u32 $0xFFFFFF80, v3  }
0x23: {  	v2 =	vor.u32 v2, v3  }
0x24: {  	v2 =	vperm.xlane v2, v0;
	_ =	sdelay $0x1  }
0x25: {  	v2 =	vadd.s32 v1, v2;
	_ =	sdelay $0x3  }
0x26: {  	s25 =	simm.s32 $0x4100  }
0x27: {  	[tilespmem:s25], [sflag:$0x1] =	stream.indirect_vreg.gather [hbm4b:s1+s4], $0x80, v2, vm0, $0xb8;
	[tilespmem:$0x1C100] =	vst v63  }
0x28: {  	s26 =	simm.s32 $0x4900  }
0x29: {  	[tilespmem:s26], [sflag:$0x1] =	stream.indirect_vreg.gather [hbm4b:s9+s4], $0x80, v2, vm0, $0xb8;
	[tilespmem:$0x1C100] =	vst v63  }
0x2a: {  	s28 =	simm.s32 $0x5100  }
0x2b: {  	[tilespmem:s28], [sflag:$0x1] =	stream.indirect_vreg.gather [hbm4b:s10+s4], $0x80, v2, vm0, $0xb8;
	[tilespmem:$0x1C100] =	vst v63  }
0x2c: {  	s29 =	simm.s32 $0x5900  }
0x2d: {  	[tilespmem:s29], [sflag:$0x1] =	stream.indirect_vreg.gather [hbm4b:s11+s4], $0x80, v2, vm0, $0xb8;
	[tilespmem:$0x1C100] =	vst v63  }
0x2e: {  	s30 =	simm.s32 $0x6100  }
0x2f: {  	[tilespmem:s30], [sflag:$0x1] =	stream.indirect_vreg.gather [hbm4b:s12+s4], $0x80, v2, vm0, $0xb8;
	[tilespmem:$0x1C100] =	vst v63  }
0x30: {  	s31 =	simm.s32 $0x6900  }
0x31: {  	[tilespmem:s31], [sflag:$0x1] =	stream.indirect_vreg.gather [hbm4b:s13+s4], $0x80, v2, vm0, $0xb8;
	[tilespmem:$0x1C100] =	vst v63  }
0x32: {  	s2 =	simm.s32 $0x7100  }
0x33: {  	[tilespmem:s2], [sflag:$0x1] =	stream.indirect_vreg.gather [hbm4b:s14+s4], $0x80, v2, vm0, $0xb8;
	[tilespmem:$0x1C100] =	vst v63  }
0x34: {  	s19 =	simm.s32 $0x7900  }
0x35: {  	[tilespmem:s19], [sflag:$0x1] =	stream.indirect_vreg.gather [hbm4b:s15+s4], $0x80, v2, vm0, $0xb8;
	[tilespmem:$0x1C100] =	vst v63  }
0x36: {  	v2 =	vld.msk [tilespmem:$0x80], $0xff;
	_ =	sdelay $0x4  }
0x37: {  	v3 =	vshll.u32 v2, $0x4  }
0x38: {  	v2 =	vand.u32 $0x7, v2;
	v3 =	vand.u32 $0xFFFFFF80, v3  }
0x39: {  	v2 =	vor.u32 v2, v3  }
0x3a: {  	v2 =	vperm.xlane v2, v0;
	_ =	sdelay $0x1  }
0x3b: {  	v2 =	vadd.s32 v1, v2;
	_ =	sdelay $0x3  }
0x3c: {  	s20 =	simm.s32 $0xC100  }
0x3d: {  	[tilespmem:s20], [sflag:$0x3] =	stream.indirect_vreg.gather [hbm4b:s1+s4], $0x80, v2, vm0, $0xb8;
	[tilespmem:$0x1C100] =	vst v63  }
0x3e: {  	s21 =	simm.s32 $0xC900  }
0x3f: {  	[tilespmem:s21], [sflag:$0x3] =	stream.indirect_vreg.gather [hbm4b:s9+s4], $0x80, v2, vm0, $0xb8;
	[tilespmem:$0x1C100] =	vst v63  }
0x40: {  	s25 =	simm.s32 $0xD100  }
0x41: {  	[tilespmem:s25], [sflag:$0x3] =	stream.indirect_vreg.gather [hbm4b:s10+s4], $0x80, v2, vm0, $0xb8;
	[tilespmem:$0x1C100] =	vst v63  }
0x42: {  	s26 =	simm.s32 $0xD900  }
0x43: {  	[tilespmem:s26], [sflag:$0x3] =	stream.indirect_vreg.gather [hbm4b:s11+s4], $0x80, v2, vm0, $0xb8;
	[tilespmem:$0x1C100] =	vst v63  }
0x44: {  	s28 =	simm.s32 $0xE100  }
0x45: {  	[tilespmem:s28], [sflag:$0x3] =	stream.indirect_vreg.gather [hbm4b:s12+s4], $0x80, v2, vm0, $0xb8;
	[tilespmem:$0x1C100] =	vst v63  }
0x46: {  	s29 =	simm.s32 $0xE900  }
0x47: {  	[tilespmem:s29], [sflag:$0x3] =	stream.indirect_vreg.gather [hbm4b:s13+s4], $0x80, v2, vm0, $0xb8;
	[tilespmem:$0x1C100] =	vst v63  }
0x48: {  	s30 =	simm.s32 $0xF100  }
0x49: {  	[tilespmem:s30], [sflag:$0x3] =	stream.indirect_vreg.gather [hbm4b:s14+s4], $0x80, v2, vm0, $0xb8;
	[tilespmem:$0x1C100] =	vst v63  }
0x4a: {  	s31 =	simm.s32 $0xF900;
	s25 =	simm.s32 $0x0  }
0x4b: {  	[tilespmem:s31], [sflag:$0x3] =	stream.indirect_vreg.gather [hbm4b:s15+s4], $0x80, v2, vm0, $0xb8;
	[tilespmem:$0x1C100] =	vst v63  }
.LBB2_2:
0x4c: {  	s28 =	sshll.u32 s25, $0x4  }
0x4d: {  	s26 =	sor.u32 $0x8, s28  }
0x4e: {  	v2 =	vld.msk [tilespmem:s26+$0x0], $0xff;
	_ =	sdelay $0x4  }
0x4f: {  	v3 =	vshll.u32 v2, $0x4  }
0x50: {  	v2 =	vand.u32 $0x7, v2;
	v3 =	vand.u32 $0xFFFFFF80, v3  }
0x51: {  	v2 =	vor.u32 v2, v3  }
0x52: {  	v2 =	vperm.xlane v2, v0;
	_ =	sdelay $0x1  }
0x53: {  	v2 =	vadd.s32 v1, v2;
	_ =	sdelay $0x3  }
0x54: {  	s0 =	simm.s32 $0x8100  }
0x55: {  	[tilespmem:s0], [sflag:$0x2] =	stream.indirect_vreg.gather [hbm4b:s1+s4], $0x80, v2, vm0, $0xb8;
	[tilespmem:$0x1C100] =	vst v63  }
0x56: {  	s31 =	simm.s32 $0x8900  }
0x57: {  	[tilespmem:s31], [sflag:$0x2] =	stream.indirect_vreg.gather [hbm4b:s9+s4], $0x80, v2, vm0, $0xb8;
	[tilespmem:$0x1C100] =	vst v63  }
0x58: {  	s2 =	simm.s32 $0x9100  }
0x59: {  	[tilespmem:s2], [sflag:$0x2] =	stream.indirect_vreg.gather [hbm4b:s10+s4], $0x80, v2, vm0, $0xb8;
	[tilespmem:$0x1C100] =	vst v63  }
0x5a: {  	s19 =	simm.s32 $0x9900  }
0x5b: {  	[tilespmem:s19], [sflag:$0x2] =	stream.indirect_vreg.gather [hbm4b:s11+s4], $0x80, v2, vm0, $0xb8;
	[tilespmem:$0x1C100] =	vst v63  }
0x5c: {  	s20 =	simm.s32 $0xA100  }
0x5d: {  	[tilespmem:s20], [sflag:$0x2] =	stream.indirect_vreg.gather [hbm4b:s12+s4], $0x80, v2, vm0, $0xb8;
	[tilespmem:$0x1C100] =	vst v63  }
0x5e: {  	s21 =	simm.s32 $0xA900  }
0x5f: {  	[tilespmem:s21], [sflag:$0x2] =	stream.indirect_vreg.gather [hbm4b:s13+s4], $0x80, v2, vm0, $0xb8;
	[tilespmem:$0x1C100] =	vst v63  }
0x60: {  	s30 =	simm.s32 $0xB100  }
0x61: {  	[tilespmem:s30], [sflag:$0x2] =	stream.indirect_vreg.gather [hbm4b:s14+s4], $0x80, v2, vm0, $0xb8;
	[tilespmem:$0x1C100] =	vst v63  }
0x62: {  	s31 =	simm.s32 $0xB900  }
0x63: {  	[tilespmem:s31], [sflag:$0x2] =	stream.indirect_vreg.gather [hbm4b:s15+s4], $0x80, v2, vm0, $0xb8;
	[tilespmem:$0x1C100] =	vst v63  }
0x64: {  	v2 =	vld.msk [tilespmem:s28+$0x88], $0xff;
	_ =	sdelay $0x4  }
0x65: {  	v3 =	vshll.u32 v2, $0x4  }
0x66: {  	v2 =	vand.u32 $0x7, v2;
	v3 =	vand.u32 $0xFFFFFF80, v3  }
0x67: {  	v2 =	vor.u32 v2, v3  }
0x68: {  	v2 =	vperm.xlane v2, v0;
	_ =	sdelay $0x1  }
0x69: {  	v2 =	vadd.s32 v1, v2;
	_ =	sdelay $0x3  }
0x6a: {  	s2 =	simm.s32 $0x10100  }
0x6b: {  	[tilespmem:s2], [sflag:$0x4] =	stream.indirect_vreg.gather [hbm4b:s1+s4], $0x80, v2, vm0, $0xb8;
	[tilespmem:$0x1C100] =	vst v63  }
0x6c: {  	s19 =	simm.s32 $0x10900  }
0x6d: {  	[tilespmem:s19], [sflag:$0x4] =	stream.indirect_vreg.gather [hbm4b:s9+s4], $0x80, v2, vm0, $0xb8;
	[tilespmem:$0x1C100] =	vst v63  }
0x6e: {  	s20 =	simm.s32 $0x11100  }
0x6f: {  	[tilespmem:s20], [sflag:$0x4] =	stream.indirect_vreg.gather [hbm4b:s10+s4], $0x80, v2, vm0, $0xb8;
	[tilespmem:$0x1C100] =	vst v63  }
0x70: {  	s21 =	simm.s32 $0x11900  }
0x71: {  	[tilespmem:s21], [sflag:$0x4] =	stream.indirect_vreg.gather [hbm4b:s11+s4], $0x80, v2, vm0, $0xb8;
	[tilespmem:$0x1C100] =	vst v63  }
0x72: {  	s30 =	simm.s32 $0x12100  }
0x73: {  	[tilespmem:s30], [sflag:$0x4] =	stream.indirect_vreg.gather [hbm4b:s12+s4], $0x80, v2, vm0, $0xb8;
	[tilespmem:$0x1C100] =	vst v63  }
0x74: {  	_ = 	snop  }
0x75: {  	[tilespmem:s22], [sflag:$0x4] =	stream.indirect_vreg.gather [hbm4b:s13+s4], $0x80, v2, vm0, $0xb8;
	[tilespmem:$0x1C100] =	vst v63  }
0x76: {  	_ = 	snop  }
0x77: {  	[tilespmem:s6], [sflag:$0x4] =	stream.indirect_vreg.gather [hbm4b:s14+s4], $0x80, v2, vm0, $0xb8;
	[tilespmem:$0x1C100] =	vst v63  }
0x78: {  	_ = 	snop  }
0x79: {  	[tilespmem:s7], [sflag:$0x4] =	stream.indirect_vreg.gather [hbm4b:s15+s4], $0x80, v2, vm0, $0xb8;
	[tilespmem:$0x1C100] =	vst v63  }
0x7a: {  	_ =	swait.ge [sflag:s8], $0x4000  }
0x7b: {  	[sflag:s8] =	ssyncset.done $0x0  }
0x7c: {  	[sflag:s8] =	ssyncadd.s32 $0xFFFFC000  }
0x7d: {  	_ =	swait.ge [sflag:s17], $0x4000  }
0x7e: {  	p0 =	seq.s32 s25, $0x0;
	[sflag:s17] =	ssyncset.done $0x0  }
0x7f: {  	s0 =	simm.s32 @!p0 $0x5;
	s2 =	sshll.u32 s25, $0xB;
	[sflag:s17] =	ssyncadd.s32 $0xFFFFC000  }
0x80: {  	s29 =	simm.s32 $0x0;
	s2 =	sand.u32 $0x3FFFF800, s2;
	_ =	swait.ge @!p0 [sflag:s0], $0x4000  }
0x81: {  	s31 =	sor.u32 $0x100, s2;
	s2 =	simm.s32 $0x14140;
	[sflag:s0] =	ssyncset.done @!p0 $0x0  }
0x82: {  	s21 =	simm.s32 $0x4140;
	v2 =	vmov s31;
	[sflag:s0] =	ssyncadd.s32 @!p0 $0xFFFFC000;
	s0 =	simm.s32 $0xC140  }
.LBB2_3:
0x83: {  	v8 =	vld [tilespmem:s0+$0x30]  }
0x84: {  	v6 =	vld [tilespmem:s21+$0x30]  }
0x85: {  	v4 =	vld [tilespmem:s21+$0xFFFFFFC0]  }
0x86: {  	v9 =	vld [tilespmem:s0+$0xFFFFFFD0]  }
0x87: {  	s19 =	sshll.u32 s29, $0x7;
	v7 =	vld [tilespmem:s21+$0xFFFFFFD0]  }
0x88: {  	v12 =	vld [tilespmem:s0+$0xFFFFFFE0];
	s19 =	sand.u32 $0x3FFFFF80, s19  }
0x89: {  	v3 =	vld.idx.msk [tilespmem:v2+s19+$0x0 ss:$0x1], $0xffff  }
0x8a: {  	v10 =	vld [tilespmem:s21+$0xFFFFFFE0]  }
0x8b: {  	v5 =	vld [tilespmem:s0+$0xFFFFFFF0]  }
0x8c: {  	v13 =	vld [tilespmem:s21+$0xFFFFFFF0];
	v11 =	vsub.f32 v6, v8  }
0x8d: {  	v14 =	vld [tilespmem:s21+$0x0];
	v7 =	vsub.f32 v7, v9  }
0x8e: {  	v6 =	vld [tilespmem:s0+$0x0];
	v11 =	vmul.f32 v11, v3  }
0x8f: {  	v16 =	vsub.f32 v10, v12;
	v10 =	vld [tilespmem:s21+$0x10];
	v15 =	vmul.f32 v7, v3  }
0x90: {  	v7 =	vld [tilespmem:s0+$0x10];
	v11 =	vadd.f32 v11, v8  }
0x91: {  	v13 =	vsub.f32 v13, v5;
	v16 =	vmul.f32 v16, v3;
	v15 =	vadd.f32 v15, v9;
	v8 =	vld [tilespmem:s0+$0x20]  }
0x92: {  	s20 =	sadd.s32 $0x400, s0;
	[tilespmem:s2+$0x30] =	vst v11;
	v11 =	vld [tilespmem:s21+$0x20]  }
0x93: {  	s31 =	smov.u32 s21;
	s30 =	smov.u32 s2;
	s19 =	simm.s32 $0x0;
	v13 =	vmul.f32 v13, v3;
	v9 =	vld [tilespmem:s0+$0xFFFFFFC0];
	v12 =	vadd.f32 v16, v12;
	v14 =	vsub.f32 v14, v6;
	[tilespmem:s2+$0xFFFFFFD0] =	vst v15  }
.LBB2_4:
0x94: {  	v15 =	vld [tilespmem:s20+$0x30];
	s31 =	sadd.s32 $0x400, s31  }
0x95: {  	s19 =	sadd.s32 $0x80, s19;
	v16 =	vld [tilespmem:s31+$0x30];
	[tilespmem:s30+$0xFFFFFFE0] =	vst v12;
	v5 =	vadd.f32 v13, v5;
	v12 =	vmul.f32 v14, v3;
	v10 =	vsub.f32 v10, v7  }
0x96: {  	p1 =	slt.u32 s19, $0x780;
	v13 =	vld [tilespmem:s31+$0xFFFFFFC0]  }
0x97: {  	v14 =	vld [tilespmem:s20+$0xFFFFFFD0];
	[tilespmem:s30+$0xFFFFFFF0] =	vst v5;
	v5 =	vadd.f32 v12, v6;
	v6 =	vmul.f32 v10, v3;
	v10 =	vsub.f32 v11, v8  }
0x98: {  	v11 =	vld [tilespmem:s31+$0xFFFFFFD0];
	v18 =	vsub.f32 v4, v9  }
0x99: {  	v12 =	vld [tilespmem:s20+$0xFFFFFFE0];
	[tilespmem:s30+$0x0] =	vst v5;
	v6 =	vadd.f32 v6, v7;
	v7 =	vmul.f32 v10, v3  }
0x9a: {  	v10 =	vld [tilespmem:s31+$0xFFFFFFE0];
	v16 =	vsub.f32 v16, v15;
	v17 =	vmul.f32 v18, v3  }
0x9b: {  	v5 =	vld [tilespmem:s20+$0xFFFFFFF0];
	[tilespmem:s30+$0x10] =	vst v6;
	v7 =	vadd.f32 v7, v8;
	v4 =	vmov v13  }
0x9c: {  	v8 =	vld [tilespmem:s31+$0xFFFFFFF0];
	v13 =	vmul.f32 v16, v3;
	v9 =	vadd.f32 v17, v9  }
0x9d: {  	v11 =	vsub.f32 v11, v14;
	v6 =	vld [tilespmem:s20+$0x0];
	[tilespmem:s30+$0x20] =	vst v7  }
0x9e: {  	v16 =	vld [tilespmem:s31+$0x0];
	v13 =	vadd.f32 v13, v15;
	[tilespmem:s30+$0xFFFFFFC0] =	vst v9  }
.Ltmp0:
0x9f: {  	s30 =	sadd.s32 $0x400, s30;
	v9 =	vmul.f32 v11, v3;
	v11 =	vsub.f32 v10, v12;
	v7 =	vld [tilespmem:s20+$0x10];
	(pc) =	sbr.rel @p1 .LBB2_4-.Ltmp0, $4  }
0xa0: {  	v10 =	vld [tilespmem:s31+$0x10];
	[tilespmem:s30+$0x30] =	vst v13  }
0xa1: {  	v13 =	vadd.f32 v9, v14;
	v14 =	vmul.f32 v11, v3;
	v15 =	vsub.f32 v8, v5;
	v8 =	vld [tilespmem:s20+$0x20]  }
0xa2: {  	v11 =	vld [tilespmem:s31+$0x20]  }
0xa3: {  	v9 =	vld [tilespmem:s20+$0xFFFFFFC0];
	[tilespmem:s30+$0xFFFFFFD0] =	vst v13;
	v12 =	vadd.f32 v14, v12;
	v13 =	vmul.f32 v15, v3;
	v14 =	vsub.f32 v16, v6;
	s20 =	sadd.s32 $0x400, s20  }
0xa4: {  	_ =	sdelay $0x1  }
0xa5: {  	v10 =	vsub.f32 v10, v7  }
0xa6: {  	v14 =	vmul.f32 v14, v3;
	v11 =	vsub.f32 v11, v8  }
0xa7: {  	s29 =	sadd.s32 $0x1, s29;
	v5 =	vadd.f32 v13, v5;
	v10 =	vmul.f32 v10, v3;
	v4 =	vsub.f32 v4, v9  }
0xa8: {  	[tilespmem:s30+$0xFFFFFFE0] =	vst v12;
	p1 =	sne.s32 s29, $0x8;
	v6 =	vadd.f32 v14, v6;
	v11 =	vmul.f32 v11, v3  }
.Ltmp1:
0xa9: {  	[tilespmem:s30+$0xFFFFFFF0] =	vst v5;
	v62 =	vadd.f32 v10, v7;
	v3 =	vmul.f32 v4, v3;
	(pc) =	sbr.rel @p1 .LBB2_3-.Ltmp1, $4  }
0xaa: {  	[tilespmem:s30+$0x0] =	vst v6;
	v63 =	vadd.f32 v11, v8  }
0xab: {  	[tilespmem:s30+$0x10] =	vst v62;
	v3 =	vadd.f32 v3, v9  }
0xac: {  	[tilespmem:s30+$0x20] =	vst v63  }
0xad: {  	s2 =	sadd.s32 $0x80, s2;
	s21 =	sadd.s32 $0x80, s21;
	s0 =	sadd.s32 $0x80, s0;
	[tilespmem:s30+$0xFFFFFFC0] =	vst v3  }
0xae: {  	s0 =	sshll.u32 s25, $0xC  }
0xaf: {  	p1 =	seq.s32 s25, $0x7;
	s0 =	sadd.s32 s0, s16  }
0xb0: {  	[hbm4b:s0+s4] =	stream.linear.scatter [tilespmem:s18], [sflag:$0x5], $0x4000, $0x38;
	[tilespmem:$0x1C100] =	vst v63  }
0xb1: {  	v2 =	vld.msk @!p1 [tilespmem:s28+$0x10], $0xff;
	_ =	sdelay $0x4  }
0xb2: {  	v3 =	vshll.u32 @!p1 v2, $0x4  }
0xb3: {  	v4 =	vlaneseq.u32 @!p1;
	v2 =	vand.u32 @!p1 $0x7, v2;
	v3 =	vand.u32 @!p1 $0xFFFFFF80, v3  }
0xb4: {  	v2 =	vor.u32 @!p1 v2, v3;
	v3 =	vand.u32 @!p1 $0x7, v4;
	v4 =	vshrl.u32 @!p1 v4, $0x3  }
0xb5: {  	v2 =	vperm.xlane @!p1 v2, v3;
	v4 =	vmul.u32 @!p1 $0x8, v4;
	_ =	sdelay $0x1  }
0xb6: {  	v2 =	vadd.s32 @!p1 v4, v2;
	_ =	sdelay $0x3  }
0xb7: {  	vm1 =	vmmov @!p1 $0xffff;
	s2 =	simm.s32 @!p1 $0x4100;
	s0 =	simm.s32 @!p1 $0x0  }
0xb8: {  	[tilespmem:s2], [sflag:$0x1] =	stream.indirect_vreg.gather @!p1 [hbm4b:s1+s0], $0x80, v2, vm1, $0xb8;
	[tilespmem:$0x1C100] =	vst v63  }
0xb9: {  	s2 =	simm.s32 @!p1 $0x4900  }
0xba: {  	[tilespmem:s2], [sflag:$0x1] =	stream.indirect_vreg.gather @!p1 [hbm4b:s9+s0], $0x80, v2, vm1, $0xb8;
	[tilespmem:$0x1C100] =	vst v63  }
0xbb: {  	s2 =	simm.s32 @!p1 $0x5100  }
0xbc: {  	[tilespmem:s2], [sflag:$0x1] =	stream.indirect_vreg.gather @!p1 [hbm4b:s10+s0], $0x80, v2, vm1, $0xb8;
	[tilespmem:$0x1C100] =	vst v63  }
0xbd: {  	s2 =	simm.s32 @!p1 $0x5900  }
0xbe: {  	[tilespmem:s2], [sflag:$0x1] =	stream.indirect_vreg.gather @!p1 [hbm4b:s11+s0], $0x80, v2, vm1, $0xb8;
	[tilespmem:$0x1C100] =	vst v63  }
0xbf: {  	s2 =	simm.s32 @!p1 $0x6100  }
0xc0: {  	[tilespmem:s2], [sflag:$0x1] =	stream.indirect_vreg.gather @!p1 [hbm4b:s12+s0], $0x80, v2, vm1, $0xb8;
	[tilespmem:$0x1C100] =	vst v63  }
0xc1: {  	s2 =	simm.s32 @!p1 $0x6900  }
0xc2: {  	[tilespmem:s2], [sflag:$0x1] =	stream.indirect_vreg.gather @!p1 [hbm4b:s13+s0], $0x80, v2, vm1, $0xb8;
	[tilespmem:$0x1C100] =	vst v63  }
0xc3: {  	s2 =	simm.s32 @!p1 $0x7100  }
0xc4: {  	[tilespmem:s2], [sflag:$0x1] =	stream.indirect_vreg.gather @!p1 [hbm4b:s14+s0], $0x80, v2, vm1, $0xb8;
	[tilespmem:$0x1C100] =	vst v63  }
0xc5: {  	s2 =	simm.s32 @!p1 $0x7900  }
0xc6: {  	[tilespmem:s2], [sflag:$0x1] =	stream.indirect_vreg.gather @!p1 [hbm4b:s15+s0], $0x80, v2, vm1, $0xb8;
	[tilespmem:$0x1C100] =	vst v63  }
0xc7: {  	v2 =	vld.msk @!p1 [tilespmem:s28+$0x90], $0xff;
	_ =	sdelay $0x4  }
0xc8: {  	v5 =	vshll.u32 @!p1 v2, $0x4  }
0xc9: {  	v2 =	vand.u32 @!p1 $0x7, v2;
	v5 =	vand.u32 @!p1 $0xFFFFFF80, v5  }
0xca: {  	v2 =	vor.u32 @!p1 v2, v5  }
0xcb: {  	v2 =	vperm.xlane @!p1 v2, v3;
	_ =	sdelay $0x1  }
0xcc: {  	v2 =	vadd.s32 @!p1 v4, v2;
	_ =	sdelay $0x3  }
0xcd: {  	s2 =	simm.s32 @!p1 $0xC100  }
0xce: {  	[tilespmem:s2], [sflag:$0x3] =	stream.indirect_vreg.gather @!p1 [hbm4b:s1+s0], $0x80, v2, vm1, $0xb8;
	[tilespmem:$0x1C100] =	vst v63  }
0xcf: {  	s2 =	simm.s32 @!p1 $0xC900  }
0xd0: {  	[tilespmem:s2], [sflag:$0x3] =	stream.indirect_vreg.gather @!p1 [hbm4b:s9+s0], $0x80, v2, vm1, $0xb8;
	[tilespmem:$0x1C100] =	vst v63  }
0xd1: {  	s2 =	simm.s32 @!p1 $0xD100  }
0xd2: {  	[tilespmem:s2], [sflag:$0x3] =	stream.indirect_vreg.gather @!p1 [hbm4b:s10+s0], $0x80, v2, vm1, $0xb8;
	[tilespmem:$0x1C100] =	vst v63  }
0xd3: {  	s2 =	simm.s32 @!p1 $0xD900  }
0xd4: {  	[tilespmem:s2], [sflag:$0x3] =	stream.indirect_vreg.gather @!p1 [hbm4b:s11+s0], $0x80, v2, vm1, $0xb8;
	[tilespmem:$0x1C100] =	vst v63  }
0xd5: {  	s2 =	simm.s32 @!p1 $0xE100  }
0xd6: {  	[tilespmem:s2], [sflag:$0x3] =	stream.indirect_vreg.gather @!p1 [hbm4b:s12+s0], $0x80, v2, vm1, $0xb8;
	[tilespmem:$0x1C100] =	vst v63  }
0xd7: {  	s2 =	simm.s32 @!p1 $0xE900  }
0xd8: {  	[tilespmem:s2], [sflag:$0x3] =	stream.indirect_vreg.gather @!p1 [hbm4b:s13+s0], $0x80, v2, vm1, $0xb8;
	[tilespmem:$0x1C100] =	vst v63  }
0xd9: {  	s2 =	simm.s32 @!p1 $0xF100  }
0xda: {  	[tilespmem:s2], [sflag:$0x3] =	stream.indirect_vreg.gather @!p1 [hbm4b:s14+s0], $0x80, v2, vm1, $0xb8;
	[tilespmem:$0x1C100] =	vst v63  }
0xdb: {  	s2 =	simm.s32 @!p1 $0xF900  }
0xdc: {  	[tilespmem:s2], [sflag:$0x3] =	stream.indirect_vreg.gather @!p1 [hbm4b:s15+s0], $0x80, v2, vm1, $0xb8;
	[tilespmem:$0x1C100] =	vst v63  }
0xdd: {  	_ =	swait.ge [sflag:s3], $0x4000  }
0xde: {  	[sflag:s3] =	ssyncset.done $0x0  }
0xdf: {  	[sflag:s3] =	ssyncadd.s32 $0xFFFFC000  }
0xe0: {  	_ =	swait.ge [sflag:s23], $0x4000  }
0xe1: {  	[sflag:s23] =	ssyncset.done $0x0  }
0xe2: {  	s0 =	simm.s32 @!p0 $0x6;
	[sflag:s23] =	ssyncadd.s32 $0xFFFFC000  }
0xe3: {  	_ =	swait.ge @!p0 [sflag:s0], $0x4000  }
0xe4: {  	s29 =	simm.s32 $0x18140;
	s30 =	simm.s32 $0x8140;
	[sflag:s0] =	ssyncset.done @!p0 $0x0  }
0xe5: {  	s31 =	simm.s32 $0x10140;
	s28 =	simm.s32 $0x0;
	[sflag:s0] =	ssyncadd.s32 @!p0 $0xFFFFC000  }
.LBB2_7:
0xe6: {  	v7 =	vld [tilespmem:s31+$0x30]  }
0xe7: {  	v5 =	vld [tilespmem:s30+$0x30]  }
0xe8: {  	v3 =	vld [tilespmem:s30+$0xFFFFFFC0]  }
0xe9: {  	s0 =	sadd.s32 s26, s28;
	v8 =	vld [tilespmem:s31+$0xFFFFFFD0]  }
0xea: {  	v6 =	vld [tilespmem:s30+$0xFFFFFFD0];
	s0 =	sshll.u32 s0, $0x7  }
0xeb: {  	v11 =	vld [tilespmem:s31+$0xFFFFFFE0];
	s0 =	sand.u32 $0x3FFFFF80, s0  }
0xec: {  	v2 =	vld [tilespmem:s0+$0x100]  }
0xed: {  	v9 =	vld [tilespmem:s30+$0xFFFFFFE0]  }
0xee: {  	v4 =	vld [tilespmem:s31+$0xFFFFFFF0]  }
0xef: {  	v12 =	vld [tilespmem:s30+$0xFFFFFFF0];
	v10 =	vsub.f32 v5, v7  }
0xf0: {  	v13 =	vld [tilespmem:s30+$0x0];
	v6 =	vsub.f32 v6, v8  }
0xf1: {  	v5 =	vld [tilespmem:s31+$0x0];
	v10 =	vmul.f32 v10, v2  }
0xf2: {  	v15 =	vsub.f32 v9, v11;
	v9 =	vld [tilespmem:s30+$0x10];
	v14 =	vmul.f32 v6, v2  }
0xf3: {  	v6 =	vld [tilespmem:s31+$0x10];
	v10 =	vadd.f32 v10, v7  }
0xf4: {  	v12 =	vsub.f32 v12, v4;
	v15 =	vmul.f32 v15, v2;
	v14 =	vadd.f32 v14, v8;
	v7 =	vld [tilespmem:s31+$0x20]  }
0xf5: {  	s2 =	simm.s32 $0x0;
	[tilespmem:s29+$0x30] =	vst v10;
	v10 =	vld [tilespmem:s30+$0x20]  }
0xf6: {  	s19 =	sadd.s32 $0x400, s31;
	s20 =	smov.u32 s30;
	s0 =	smov.u32 s29;
	v12 =	vmul.f32 v12, v2;
	v8 =	vld [tilespmem:s31+$0xFFFFFFC0];
	v11 =	vadd.f32 v15, v11;
	v13 =	vsub.f32 v13, v5;
	[tilespmem:s29+$0xFFFFFFD0] =	vst v14  }
.LBB2_8:
0xf7: {  	v14 =	vld [tilespmem:s19+$0x30];
	s20 =	sadd.s32 $0x400, s20  }
0xf8: {  	s2 =	sadd.s32 $0x80, s2;
	v15 =	vld [tilespmem:s20+$0x30];
	[tilespmem:s0+$0xFFFFFFE0] =	vst v11;
	v4 =	vadd.f32 v12, v4;
	v11 =	vmul.f32 v13, v2;
	v9 =	vsub.f32 v9, v6  }
0xf9: {  	p0 =	slt.u32 s2, $0x780;
	v12 =	vld [tilespmem:s20+$0xFFFFFFC0]  }
0xfa: {  	v13 =	vld [tilespmem:s19+$0xFFFFFFD0];
	[tilespmem:s0+$0xFFFFFFF0] =	vst v4;
	v4 =	vadd.f32 v11, v5;
	v5 =	vmul.f32 v9, v2;
	v9 =	vsub.f32 v10, v7  }
0xfb: {  	v10 =	vld [tilespmem:s20+$0xFFFFFFD0];
	v17 =	vsub.f32 v3, v8  }
0xfc: {  	v11 =	vld [tilespmem:s19+$0xFFFFFFE0];
	[tilespmem:s0+$0x0] =	vst v4;
	v5 =	vadd.f32 v5, v6;
	v6 =	vmul.f32 v9, v2  }
0xfd: {  	v9 =	vld [tilespmem:s20+$0xFFFFFFE0];
	v15 =	vsub.f32 v15, v14;
	v16 =	vmul.f32 v17, v2  }
0xfe: {  	v4 =	vld [tilespmem:s19+$0xFFFFFFF0];
	[tilespmem:s0+$0x10] =	vst v5;
	v6 =	vadd.f32 v6, v7;
	v3 =	vmov v12  }
0xff: {  	v7 =	vld [tilespmem:s20+$0xFFFFFFF0];
	v12 =	vmul.f32 v15, v2;
	v8 =	vadd.f32 v16, v8  }
0x100: {  	v10 =	vsub.f32 v10, v13;
	v5 =	vld [tilespmem:s19+$0x0];
	[tilespmem:s0+$0x20] =	vst v6  }
0x101: {  	v15 =	vld [tilespmem:s20+$0x0];
	v12 =	vadd.f32 v12, v14;
	[tilespmem:s0+$0xFFFFFFC0] =	vst v8  }
.Ltmp2:
0x102: {  	s0 =	sadd.s32 $0x400, s0;
	v8 =	vmul.f32 v10, v2;
	v10 =	vsub.f32 v9, v11;
	v6 =	vld [tilespmem:s19+$0x10];
	(pc) =	sbr.rel @p0 .LBB2_8-.Ltmp2, $4  }
0x103: {  	v9 =	vld [tilespmem:s20+$0x10];
	[tilespmem:s0+$0x30] =	vst v12  }
0x104: {  	v12 =	vadd.f32 v8, v13;
	v13 =	vmul.f32 v10, v2;
	v14 =	vsub.f32 v7, v4;
	v7 =	vld [tilespmem:s19+$0x20]  }
0x105: {  	v10 =	vld [tilespmem:s20+$0x20]  }
0x106: {  	v8 =	vld [tilespmem:s19+$0xFFFFFFC0];
	[tilespmem:s0+$0xFFFFFFD0] =	vst v12;
	v11 =	vadd.f32 v13, v11;
	v12 =	vmul.f32 v14, v2;
	v13 =	vsub.f32 v15, v5;
	s19 =	sadd.s32 $0x400, s19  }
0x107: {  	_ =	sdelay $0x1  }
0x108: {  	v9 =	vsub.f32 v9, v6  }
0x109: {  	v13 =	vmul.f32 v13, v2;
	v10 =	vsub.f32 v10, v7  }
0x10a: {  	s28 =	sadd.s32 $0x1, s28;
	v4 =	vadd.f32 v12, v4;
	v9 =	vmul.f32 v9, v2;
	v3 =	vsub.f32 v3, v8  }
0x10b: {  	[tilespmem:s0+$0xFFFFFFE0] =	vst v11;
	p0 =	sne.s32 s28, $0x8;
	v5 =	vadd.f32 v13, v5;
	v10 =	vmul.f32 v10, v2  }
.Ltmp3:
0x10c: {  	[tilespmem:s0+$0xFFFFFFF0] =	vst v4;
	v63 =	vadd.f32 v9, v6;
	v2 =	vmul.f32 v3, v2;
	(pc) =	sbr.rel @p0 .LBB2_7-.Ltmp3, $4  }
0x10d: {  	[tilespmem:s0+$0x0] =	vst v5;
	v3 =	vadd.f32 v10, v7  }
0x10e: {  	[tilespmem:s0+$0x10] =	vst v63;
	v2 =	vadd.f32 v2, v8  }
0x10f: {  	[tilespmem:s0+$0x20] =	vst v3  }
0x110: {  	s29 =	sadd.s32 $0x80, s29;
	s30 =	sadd.s32 $0x80, s30;
	s31 =	sadd.s32 $0x80, s31;
	[tilespmem:s0+$0xFFFFFFC0] =	vst v2  }
0x111: {  	s25 =	sadd.s32 $0x1, s25  }
0x112: {  	p0 =	sne.s32 s25, $0x8  }
.Ltmp4:
0x113: {  	_ = 	snop;
	(pc) =	sbr.rel @p0 .LBB2_2-.Ltmp4, $4  }
0x114: {  	s0 =	sadd.s32 s5, s26  }
0x115: {  	s2 =	rddreg [dreg:$0x2];
	s0 =	sshll.u32 s0, $0x8  }
0x116: {  	s0 =	sadd.s32 s2, s0  }
0x117: {  	[hbm4b:s0+s4] =	stream.linear.scatter [tilespmem:s24], [sflag:$0x6], $0x4000, $0x38;
	[tilespmem:$0x1C100] =	vst v63  }
0x118: {  	s0 =	simm.s32 $0x5  }
0x119: {  	_ =	swait.ge [sflag:s0], $0x4000  }
0x11a: {  	[sflag:s0] =	ssyncset.done $0x0  }
0x11b: {  	s2 =	simm.s32 $0x6;
	[sflag:s0] =	ssyncadd.s32 $0xFFFFC000  }
0x11c: {  	_ =	swait.ge [sflag:s2], $0x4000  }
0x11d: {  	s19 =	rddreg [dreg:$0x8]  }
0x11e: {  	s31 =	rddreg [dreg:$0x7];
	s19 =	sadd.s32 $0x1, s19  }
0x11f: {  	p0 =	sne.s32 s19, s31  }
.Ltmp5:
0x120: {  	_ = 	snop;
	(pc) =	sbr.rel @p0 .LBB2_1-.Ltmp5, $3  }
0x121: {  	_ =	sdelay $0x1  }
0x122: {  	[sflag:s2] =	ssyncset.done $0x0  }
0x123: {  	[sflag:s2] =	ssyncadd.s32 $0xFFFFC000  }
0x124: {  	_ =	sfence.sel $0x180000  }
0x125: {  	[bflag:$0x0] =	sbarrier.arrive $0xFFFF  }
0x126: {  	_ =	strace $0x90000047  }
0x127: {  	s0 =	stileid.u32;
	[bflag:$0x2] =	sbarrier.arrive $0xFFFF  }
0x128: {  	p0 =	sne.s32 s0, $0x0;
	s0 =	rddreg [dreg:$0x3]  }
0x129: {  	s0 =	sadd.s32 @!p0 $0x100000, s0  }
0x12a: {  	[sflag:s0] =	ssyncadd.tile.s32 @!p0 $0x1;
	_ =	shalt  }
.Lfunc_end2:
_tile_overlayer_lowered:
.L_overlay_start_2:
0x12b: {  	(tag) =	ssettag $0x2  }
0x12c: {  	s0 =	rddreg [dreg:$0x0];
	s2 =	stileid.u32  }
0x12d: {  	s1 =	rddreg [dreg:$0x1];
	p0 =	sne.s32 s2, $0x0  }
0x12e: {  	s3 =	rddreg [dreg:$0x2];
	[bflag:$0x3] =	sbarrier.arrive $0xFFFF;
	s2 =	simm.s32 @!p0 $0x1C07  }
0x12f: {  	[timem:s3], [sflag:s2] =	dma.local @!p0 [hbm:s0], s1  }
0x130: {  	s0 =	simm.s32 @!p0 $0x7  }
0x131: {  	_ =	swait.ge @!p0 [sflag:s0], s1  }
0x132: {  	s1 =	ssub.s32 @!p0 $0x0, s1;
	[sflag:s0] =	ssyncset.done @!p0 $0x0  }
0x133: {  	[sflag:s0] =	ssyncadd.s32 @!p0 s1  }
0x134: {  	[bflag:$0x3] =	sbarrier.arrive $0xFFFF  }
0x135: {  	_ =	shalt  }

</sc_bundles>
